<compile_context>
chip_gen: v7x
topology: tpu7x:2x2x1
jax: 0.10.2.dev20260603
libtpu: 0.0.44.dev20260713+nightly
codegen_flags: <defaults>
</compile_context>

<pallas_src>
import functools

import jax
import jax.numpy as jnp
from jax import lax
from jax.experimental import pallas as pl
from jax.experimental.pallas import tpu as pltpu
from jax.experimental.pallas import tpu_sc as plsc

NUM_ROWS = 1000000
DIM = 32
B_TOKENS = 16384
SEQ = 26
B_FLAT = B_TOKENS * SEQ
OUT_ROWS = B_TOKENS * 32 * 4
CB = 2048
N_IN_BLOCKS = -(-NUM_ROWS // CB)
STEPS = -(-N_IN_BLOCKS // 4)
IMG_ROWS = STEPS * CB
LIN_ROWS = IMG_ROWS * 4

_info = plsc.get_sparse_core_info()
NC = _info.num_cores
NS = _info.num_subcores
NW = NC * NS
B_PER_W = B_FLAT // NW
CHUNK = 1024
N_CHUNKS = B_PER_W // CHUNK
NBUF = 2
DIV26_MUL = 80660
DIV26_SHIFT = 21



def _tr_body(a0_ref, a1_ref, a2_ref, a3_ref, out_ref):
    eye = jnp.eye(DIM, dtype=jnp.float32)
    dn = (((0,), (0,)), ((), ()))
    parts = [
        lax.dot_general(r[...], eye, dn, preferred_element_type=jnp.float32)
        for r in (a0_ref, a1_ref, a2_ref, a3_ref)
    ]
    out_ref[...] = jnp.concatenate(parts, axis=1)


def _chunk_spec(a):
    return pl.BlockSpec(
        (DIM, CB),
        lambda g, a=a: (0, jnp.minimum(g * 4 + a, N_IN_BLOCKS - 1)))


_transpose = pl.pallas_call(
    _tr_body,
    grid=(STEPS,),
    in_specs=[_chunk_spec(a) for a in range(4)],
    out_specs=pl.BlockSpec((CB, DIM * 4), lambda g: (g, 0)),
    out_shape=jax.ShapeDtypeStruct((IMG_ROWS, DIM * 4), jnp.float32),
)

_mesh = plsc.VectorSubcoreMesh(core_axis_name="c", subcore_axis_name="s")


@functools.partial(
    pl.kernel,
    mesh=_mesh,
    out_type=jax.ShapeDtypeStruct((OUT_ROWS, DIM), jnp.float32),
    compiler_params=pltpu.CompilerParams(use_tc_tiling_on_sc=False),
    scratch_types=[
        pltpu.VMEM((B_PER_W,), jnp.int32),
        pltpu.VMEM((N_CHUNKS, CHUNK), jnp.int32),
        [pltpu.VMEM((CHUNK, DIM), jnp.float32) for _ in range(NBUF)],
        pltpu.SemaphoreType.DMA,
        pltpu.SemaphoreType.DMA,
    ],
)
def _gather(idx_hbm, table_hbm, out_hbm, idx_v, pos_v, rows, gsem, osem):
    wid = lax.axis_index("s") * NC + lax.axis_index("c")
    base = wid * B_PER_W
    tbase = wid * (B_PER_W // SEQ)

    pltpu.sync_copy(idx_hbm.at[pl.ds(base, B_PER_W)], idx_v)

    iota16 = lax.iota(jnp.int32, 16)

    def pbody(mm, carry):
        c = mm // (CHUNK // 16)
        m = mm % (CHUNK // 16)
        off = c * CHUNK + m * 16
        i = idx_v[pl.ds(off, 16)]
        b = lax.shift_right_logical(i, 11)
        j = lax.bitwise_and(i, CB - 1)
        g = lax.shift_right_logical(b, 2)
        idx_v[pl.ds(off, 16)] = (g * CB + j) * 4 + lax.bitwise_and(b, 3)
        jl = iota16 + off
        t = lax.shift_right_logical(jl * DIV26_MUL, DIV26_SHIFT)
        s = jl - t * SEQ
        pos_v[c, pl.ds(m * 16, 16)] = ((tbase + t) * 32 + s) * 4
        return carry

    lax.fori_loop(0, N_CHUNKS * (CHUNK // 16), pbody, 0)

    def start_gather(c):
        return pltpu.async_copy(
            table_hbm.at[idx_v.at[pl.ds(c * CHUNK, CHUNK)]],
            rows[c % NBUF], gsem)

    def start_store(c):
        return pltpu.async_copy(
            rows[c % NBUF], out_hbm.at[pos_v.at[c]], osem)

    gathers = [start_gather(0)]
    stores = []
    for c in range(N_CHUNKS):
        if c + 1 < N_CHUNKS:
            if c >= 1:
                stores[c - 1].wait()
            gathers.append(start_gather(c + 1))
        gathers[c].wait()
        stores.append(start_store(c))
    stores[N_CHUNKS - 2].wait()
    stores[N_CHUNKS - 1].wait()


def kernel(x, mat):
    xf = x.reshape(B_FLAT)
    matT = mat.T
    mat4 = _transpose(matT, matT, matT, matT)
    mat_lin = mat4.reshape(LIN_ROWS, DIM)
    out_pad = _gather(xf, mat_lin)
    return out_pad.reshape(B_TOKENS, 32, 128)[:, :SEQ, :DIM]

# --- scband reference (transcript-rebuilt; emitter-appended) ---
"""Pipeline reference for scband-my-embedding-13400297963762 (READ-ONLY COPY).

The authoritative reference and input builder live on the scoring server;
editing this copy changes nothing except your own understanding.
"""

import jax, jax.numpy as jnp
import numpy as np

NUM_EMBEDDINGS = 1000000
EMBEDDING_DIM = 32

def setup_inputs(seed: int = 0) -> dict:
    key = jax.random.key(seed)
    k_idx, k_tab = jax.random.split(key)
    x = jax.random.randint(k_idx, (16384, 26), 0, NUM_EMBEDDINGS, dtype=jnp.int64) if jax.config.jax_enable_x64 else jax.random.randint(k_idx, (16384, 26), 0, NUM_EMBEDDINGS, dtype=jnp.int32)
    # trunc_normal_(mean=0, std=1, a=-3, b=3) approximated with truncated normal
    mat = jax.random.truncated_normal(k_tab, -3.0, 3.0, (NUM_EMBEDDINGS, EMBEDDING_DIM), dtype=jnp.float32)
    return {"x": x, "mat": mat}

def reference(x, mat):
    # Faithful translation of: return self.mat[x]
    return jnp.take(mat, x, axis=0)

if __name__ == "__main__":
    import jax
    _d = setup_inputs()
    print(jax.jit(kernel)(*tuple(_d.values())))

</pallas_src>

<mosaic_0001>
#map = affine_map<(d0, d1) -> (0)>
#map1 = affine_map<(d0, d1) -> (0, 0)>
module attributes {stable_mosaic.version = 14 : i64} {
  func.func @_gather(%arg0: i32, %arg1: i32, %arg2: memref<425984xi32, #tpu.memory_space<hbm>>, %arg3: memref<1007616x32xf32, #tpu.memory_space<hbm>>, %arg4: memref<2097152x32xf32, #tpu.memory_space<hbm>>, %arg5: memref<13312xi32, #tpu.memory_space<vmem>>, %arg6: memref<13x1024xi32, #tpu.memory_space<vmem>>, %arg7: memref<1024x32xf32, #tpu.memory_space<vmem>>, %arg8: memref<1024x32xf32, #tpu.memory_space<vmem>>, %arg9: memref<!tpu.dma_semaphore, #tpu.memory_space<semaphore_mem>>, %arg10: memref<!tpu.dma_semaphore, #tpu.memory_space<semaphore_mem>>) attributes {dimension_semantics = [#tpu.dimension_semantics<core_parallel>, #tpu.dimension_semantics<subcore_parallel>], iteration_bounds = array<i64: 2, 16>, scalar_prefetch = 0 : i64, scratch_operands = 6 : i64, tpu.core_type = #tpu.core_type<sc_vector_subcore>, window_params = [{transform_indices = #map}, {transform_indices = #map1}, {transform_indices = #map1}]} {
    %mul3A = arith.constant 2 : i32
    %mul3A_0 = arith.muli %arg1, %mul3A : i32
    %add3A = arith.addi %mul3A_0, %arg0 : i32
    %mul3A_1 = arith.constant 13312 : i32
    %mul3A_2 = arith.muli %add3A, %mul3A_1 : i32
    %mul3A_3 = arith.constant 512 : i32
    %mul3A_4 = arith.muli %add3A, %mul3A_3 : i32
    "tpu.region"() ({
      %run_scoped3A = tpu.sem_alloc : memref<!tpu.dma_semaphore, #tpu.memory_space<semaphore_mem>>
      %dma_start3A_320 = tpu.memref_slice %arg2[%mul3A_2] : memref<425984xi32, #tpu.memory_space<hbm>> -> memref<13312xi32, #tpu.memory_space<hbm>>
      %dma_start3A_321 = tpu.memref_slice %arg2[%mul3A_2] : memref<425984xi32, #tpu.memory_space<hbm>> -> memref<13312xi32, #tpu.memory_space<hbm>>
      tpu.enqueue_dma source(%dma_start3A_321 : memref<13312xi32, #tpu.memory_space<hbm>>) target(%arg5 : memref<13312xi32, #tpu.memory_space<vmem>>) target_semaphore(%run_scoped3A : memref<!tpu.dma_semaphore, #tpu.memory_space<semaphore_mem>>)
      %dma_wait3A_322 = tpu.memref_slice %arg2[%mul3A_2] : memref<425984xi32, #tpu.memory_space<hbm>> -> memref<13312xi32, #tpu.memory_space<hbm>>
      %dma_wait3A_323 = tpu.memref_slice %arg2[%mul3A_2] : memref<425984xi32, #tpu.memory_space<hbm>> -> memref<13312xi32, #tpu.memory_space<hbm>>
      tpu.wait_dma2 semaphore(%run_scoped3A : memref<!tpu.dma_semaphore, #tpu.memory_space<semaphore_mem>>) src(%dma_wait3A_323 : memref<13312xi32, #tpu.memory_space<hbm>>) dst(%arg5 : memref<13312xi32, #tpu.memory_space<vmem>>)
      tpu.yield
    }) : () -> ()
    %iota3A = tpu.iota {dimensions = array<i32: 0>} : vector<16xi32>
    %scan3A = arith.constant 0 : i32
    %scan3A_5 = arith.constant 0 : i32
    %scan3A_6 = arith.constant 832 : i32
    %scan3A_7 = arith.addi %scan3A_5, %scan3A_6 : i32
    %scan3A_8 = arith.constant 1 : i32
    scf.for %scan3A_320 = %scan3A_5 to %scan3A_7 step %scan3A_8  : i32 {
      %jit3A = arith.constant 64 : i32
      %div3A = arith.divsi %scan3A_320, %jit3A : i32
      %sign3A = arith.constant 0 : i32
      %sign3A_321 = arith.cmpi sgt, %scan3A_320, %sign3A : i32
      %sign3A_322 = arith.extui %sign3A_321 : i1 to i32
      %sign3A_323 = arith.constant 0 : i32
      %sign3A_324 = arith.cmpi slt, %scan3A_320, %sign3A_323 : i32
      %sign3A_325 = arith.extui %sign3A_324 : i1 to i32
      %sign3A_326 = arith.subi %sign3A_322, %sign3A_325 : i32
      %sign3A_327 = arith.constant 0 : i32
      %sign3A_328 = arith.cmpi sgt, %jit3A, %sign3A_327 : i32
      %sign3A_329 = arith.extui %sign3A_328 : i1 to i32
      %sign3A_330 = arith.constant 0 : i32
      %sign3A_331 = arith.cmpi slt, %jit3A, %sign3A_330 : i32
      %sign3A_332 = arith.extui %sign3A_331 : i1 to i32
      %sign3A_333 = arith.subi %sign3A_329, %sign3A_332 : i32
      %ne3A = arith.cmpi ne, %sign3A_326, %sign3A_333 : i32
      %rem3A = arith.remsi %scan3A_320, %jit3A : i32
      %ne3A_334 = arith.constant 0 : i32
      %ne3A_335 = arith.cmpi ne, %rem3A, %ne3A_334 : i32
      %and3A = arith.andi %ne3A, %ne3A_335 : i1
      %sub3A = arith.constant 1 : i32
      %sub3A_336 = arith.subi %div3A, %sub3A : i32
      %select_n3A = arith.select %and3A, %sub3A_336, %div3A : i32
      %jit3A_337 = arith.constant 64 : i32
      %eq3A = arith.constant 0 : i32
      %eq3A_338 = arith.cmpi eq, %jit3A_337, %eq3A : i32
      %jit3A_339 = arith.constant 1 : i32
      %select_n3A_340 = arith.select %eq3A_338, %jit3A_339, %jit3A_337 : i32
      %rem3A_341 = arith.remsi %scan3A_320, %select_n3A_340 : i32
      %ne3A_342 = arith.constant 0 : i32
      %ne3A_343 = arith.cmpi ne, %rem3A_341, %ne3A_342 : i32
      %lt3A = arith.constant 0 : i32
      %lt3A_344 = arith.cmpi slt, %rem3A_341, %lt3A : i32
      %lt3A_345 = arith.constant 0 : i32
      %lt3A_346 = arith.cmpi slt, %select_n3A_340, %lt3A_345 : i32
      %ne3A_347 = arith.xori %lt3A_344, %lt3A_346 : i1
      %and3A_348 = arith.andi %ne3A_347, %ne3A_343 : i1
      %add3A_349 = arith.addi %rem3A_341, %select_n3A_340 : i32
      %select_n3A_350 = arith.select %and3A_348, %add3A_349, %rem3A_341 : i32
      %mul3A_351 = arith.constant 1024 : i32
      %mul3A_352 = arith.muli %select_n3A, %mul3A_351 : i32
      %mul3A_353 = arith.constant 16 : i32
      %mul3A_354 = arith.muli %select_n3A_350, %mul3A_353 : i32
      %add3A_355 = arith.addi %mul3A_352, %mul3A_354 : i32
      %get3A = arith.index_cast %add3A_355 : i32 to index
      %get3A_356 = tpu.vector_load %arg5[%get3A] {strides = array<i32>} : memref<13312xi32, #tpu.memory_space<vmem>>, vector<16xi32>,
      %get3A_357 = vector.shape_cast %get3A_356 : vector<16xi32> to vector<16xi32>
      %shift_right_logical3A = arith.constant 11 : i32
      %shift_right_logical3A_358 = vector.broadcast %shift_right_logical3A : i32 to vector<16xi32>
      %shift_right_logical3A_359 = arith.shrui %get3A_357, %shift_right_logical3A_358 : vector<16xi32>
      %and3A_360 = arith.constant 2047 : i32
      %and3A_361 = vector.broadcast %and3A_360 : i32 to vector<16xi32>
      %and3A_362 = arith.andi %get3A_357, %and3A_361 : vector<16xi32>
      %shift_right_logical3A_363 = arith.constant 2 : i32
      %shift_right_logical3A_364 = vector.broadcast %shift_right_logical3A_363 : i32 to vector<16xi32>
      %shift_right_logical3A_365 = arith.shrui %shift_right_logical3A_359, %shift_right_logical3A_364 : vector<16xi32>
      %mul3A_366 = arith.constant 2048 : i32
      %mul3A_367 = vector.broadcast %mul3A_366 : i32 to vector<16xi32>
      %mul3A_368 = arith.muli %shift_right_logical3A_365, %mul3A_367 : vector<16xi32>
      %add3A_369 = arith.addi %mul3A_368, %and3A_362 : vector<16xi32>
      %mul3A_370 = arith.constant 4 : i32
      %mul3A_371 = vector.broadcast %mul3A_370 : i32 to vector<16xi32>
      %mul3A_372 = arith.muli %add3A_369, %mul3A_371 : vector<16xi32>
      %and3A_373 = arith.constant 3 : i32
      %and3A_374 = vector.broadcast %and3A_373 : i32 to vector<16xi32>
      %and3A_375 = arith.andi %shift_right_logical3A_359, %and3A_374 : vector<16xi32>
      %add3A_376 = arith.addi %mul3A_372, %and3A_375 : vector<16xi32>
      %swap3A = arith.index_cast %add3A_355 : i32 to index
      %swap3A_377 = tpu.vector_load %arg5[%swap3A] {strides = array<i32>} : memref<13312xi32, #tpu.memory_space<vmem>>, vector<16xi32>,
      %swap3A_378 = vector.shape_cast %swap3A_377 : vector<16xi32> to vector<16xi32>
      %swap3A_379 = vector.shape_cast %add3A_376 : vector<16xi32> to vector<16xi32>
      tpu.vector_store %arg5[%swap3A], %swap3A_379 {strides = array<i32>} : memref<13312xi32, #tpu.memory_space<vmem>>, vector<16xi32>,
      %add3A_380 = vector.broadcast %add3A_355 : i32 to vector<16xi32>
      %add3A_381 = arith.addi %iota3A, %add3A_380 : vector<16xi32>
      %mul3A_382 = arith.constant 80660 : i32
      %mul3A_383 = vector.broadcast %mul3A_382 : i32 to vector<16xi32>
      %mul3A_384 = arith.muli %add3A_381, %mul3A_383 : vector<16xi32>
      %shift_right_logical3A_385 = arith.constant 21 : i32
      %shift_right_logical3A_386 = vector.broadcast %shift_right_logical3A_385 : i32 to vector<16xi32>
      %shift_right_logical3A_387 = arith.shrui %mul3A_384, %shift_right_logical3A_386 : vector<16xi32>
      %mul3A_388 = arith.constant 26 : i32
      %mul3A_389 = vector.broadcast %mul3A_388 : i32 to vector<16xi32>
      %mul3A_390 = arith.muli %shift_right_logical3A_387, %mul3A_389 : vector<16xi32>
      %sub3A_391 = arith.subi %add3A_381, %mul3A_390 : vector<16xi32>
      %add3A_392 = vector.broadcast %mul3A_4 : i32 to vector<16xi32>
      %add3A_393 = arith.addi %add3A_392, %shift_right_logical3A_387 : vector<16xi32>
      %mul3A_394 = arith.constant 32 : i32
      %mul3A_395 = vector.broadcast %mul3A_394 : i32 to vector<16xi32>
      %mul3A_396 = arith.muli %add3A_393, %mul3A_395 : vector<16xi32>
      %add3A_397 = arith.addi %mul3A_396, %sub3A_391 : vector<16xi32>
      %mul3A_398 = arith.constant 4 : i32
      %mul3A_399 = vector.broadcast %mul3A_398 : i32 to vector<16xi32>
      %mul3A_400 = arith.muli %add3A_397, %mul3A_399 : vector<16xi32>
      %mul3A_401 = arith.constant 16 : i32
      %mul3A_402 = arith.muli %select_n3A_350, %mul3A_401 : i32
      %swap3A_403 = arith.index_cast %select_n3A : i32 to index
      %swap3A_404 = arith.index_cast %mul3A_402 : i32 to index
      %swap3A_405 = tpu.vector_load %arg6[%swap3A_403, %swap3A_404] {strides = array<i32>} : memref<13x1024xi32, #tpu.memory_space<vmem>>, vector<1x16xi32>,
      %swap3A_406 = vector.shape_cast %swap3A_405 : vector<1x16xi32> to vector<16xi32>
      %swap3A_407 = vector.shape_cast %mul3A_400 : vector<16xi32> to vector<1x16xi32>
      tpu.vector_store %arg6[%swap3A_403, %swap3A_404], %swap3A_407 {strides = array<i32>} : memref<13x1024xi32, #tpu.memory_space<vmem>>, vector<1x16xi32>,
    }
    %scan3A_9 = arith.constant 832 : i32
    %dma_start3A = arith.constant 0 : i32
    %dma_start3A_10 = tpu.memref_slice %arg5[%dma_start3A] : memref<13312xi32, #tpu.memory_space<vmem>> -> memref<1024xi32, #tpu.memory_space<vmem>>
    %dma_start3A_11 = arith.constant 0 : i32
    %dma_start3A_12 = arith.constant 0 : i32
    %dma_start3A_13 = tpu.memref_slice %arg3[%dma_start3A_11, %dma_start3A_12] : memref<1007616x32xf32, #tpu.memory_space<hbm>> -> memref<1007616x32xf32, #tpu.memory_space<hbm>>
    tpu.enqueue_indirect_dma source(%dma_start3A_13 : memref<1007616x32xf32, #tpu.memory_space<hbm>>) target(%arg7 : memref<1024x32xf32, #tpu.memory_space<vmem>>) offsets(%dma_start3A_10 : memref<1024xi32, #tpu.memory_space<vmem>>) semaphore(%arg9 : memref<!tpu.dma_semaphore, #tpu.memory_space<semaphore_mem>>)
    %dma_start3A_14 = arith.constant 1024 : i32
    %dma_start3A_15 = tpu.memref_slice %arg5[%dma_start3A_14] : memref<13312xi32, #tpu.memory_space<vmem>> -> memref<1024xi32, #tpu.memory_space<vmem>>
    %dma_start3A_16 = arith.constant 0 : i32
    %dma_start3A_17 = arith.constant 0 : i32
    %dma_start3A_18 = tpu.memref_slice %arg3[%dma_start3A_16, %dma_start3A_17] : memref<1007616x32xf32, #tpu.memory_space<hbm>> -> memref<1007616x32xf32, #tpu.memory_space<hbm>>
    tpu.enqueue_indirect_dma source(%dma_start3A_18 : memref<1007616x32xf32, #tpu.memory_space<hbm>>) target(%arg8 : memref<1024x32xf32, #tpu.memory_space<vmem>>) offsets(%dma_start3A_15 : memref<1024xi32, #tpu.memory_space<vmem>>) semaphore(%arg9 : memref<!tpu.dma_semaphore, #tpu.memory_space<semaphore_mem>>)
    %dma_wait3A = arith.constant 0 : i32
    %dma_wait3A_19 = tpu.memref_slice %arg5[%dma_wait3A] : memref<13312xi32, #tpu.memory_space<vmem>> -> memref<1024xi32, #tpu.memory_space<vmem>>
    %dma_wait3A_20 = arith.constant 0 : i32
    %dma_wait3A_21 = arith.constant 0 : i32
    %dma_wait3A_22 = tpu.memref_slice %arg3[%dma_wait3A_20, %dma_wait3A_21] : memref<1007616x32xf32, #tpu.memory_space<hbm>> -> memref<1007616x32xf32, #tpu.memory_space<hbm>>
    tpu.wait_indirect_dma semaphore(%arg9 : memref<!tpu.dma_semaphore, #tpu.memory_space<semaphore_mem>>) src(%dma_wait3A_22 : memref<1007616x32xf32, #tpu.memory_space<hbm>>) dst(%arg7 : memref<1024x32xf32, #tpu.memory_space<vmem>>)
    %dma_start3A_23 = arith.constant 0 : i32
    %dma_start3A_24 = arith.constant 0 : i32
    %dma_start3A_25 = tpu.memref_slice %arg6[%dma_start3A_23, %dma_start3A_24] : memref<13x1024xi32, #tpu.memory_space<vmem>> -> memref<1x1024xi32, #tpu.memory_space<vmem>>
    %dma_start3A_26 = tpu.memref_squeeze %dma_start3A_25 : memref<1x1024xi32, #tpu.memory_space<vmem>> -> memref<1024xi32, #tpu.memory_space<vmem>>
    %dma_start3A_27 = arith.constant 0 : i32
    %dma_start3A_28 = arith.constant 0 : i32
    %dma_start3A_29 = tpu.memref_slice %arg4[%dma_start3A_27, %dma_start3A_28] : memref<2097152x32xf32, #tpu.memory_space<hbm>> -> memref<2097152x32xf32, #tpu.memory_space<hbm>>
    tpu.enqueue_indirect_dma source(%arg7 : memref<1024x32xf32, #tpu.memory_space<vmem>>) target(%dma_start3A_29 : memref<2097152x32xf32, #tpu.memory_space<hbm>>) offsets(%dma_start3A_26 : memref<1024xi32, #tpu.memory_space<vmem>>) semaphore(%arg10 : memref<!tpu.dma_semaphore, #tpu.memory_space<semaphore_mem>>)
    %dma_wait3A_30 = arith.constant 0 : i32
    %dma_wait3A_31 = arith.constant 0 : i32
    %dma_wait3A_32 = tpu.memref_slice %arg6[%dma_wait3A_30, %dma_wait3A_31] : memref<13x1024xi32, #tpu.memory_space<vmem>> -> memref<1x1024xi32, #tpu.memory_space<vmem>>
    %dma_wait3A_33 = tpu.memref_squeeze %dma_wait3A_32 : memref<1x1024xi32, #tpu.memory_space<vmem>> -> memref<1024xi32, #tpu.memory_space<vmem>>
    %dma_wait3A_34 = arith.constant 0 : i32
    %dma_wait3A_35 = arith.constant 0 : i32
    %dma_wait3A_36 = tpu.memref_slice %arg4[%dma_wait3A_34, %dma_wait3A_35] : memref<2097152x32xf32, #tpu.memory_space<hbm>> -> memref<2097152x32xf32, #tpu.memory_space<hbm>>
    tpu.wait_indirect_dma semaphore(%arg10 : memref<!tpu.dma_semaphore, #tpu.memory_space<semaphore_mem>>) src(%arg7 : memref<1024x32xf32, #tpu.memory_space<vmem>>) dst(%dma_wait3A_36 : memref<2097152x32xf32, #tpu.memory_space<hbm>>)
    %dma_start3A_37 = arith.constant 2048 : i32
    %dma_start3A_38 = tpu.memref_slice %arg5[%dma_start3A_37] : memref<13312xi32, #tpu.memory_space<vmem>> -> memref<1024xi32, #tpu.memory_space<vmem>>
    %dma_start3A_39 = arith.constant 0 : i32
    %dma_start3A_40 = arith.constant 0 : i32
    %dma_start3A_41 = tpu.memref_slice %arg3[%dma_start3A_39, %dma_start3A_40] : memref<1007616x32xf32, #tpu.memory_space<hbm>> -> memref<1007616x32xf32, #tpu.memory_space<hbm>>
    tpu.enqueue_indirect_dma source(%dma_start3A_41 : memref<1007616x32xf32, #tpu.memory_space<hbm>>) target(%arg7 : memref<1024x32xf32, #tpu.memory_space<vmem>>) offsets(%dma_start3A_38 : memref<1024xi32, #tpu.memory_space<vmem>>) semaphore(%arg9 : memref<!tpu.dma_semaphore, #tpu.memory_space<semaphore_mem>>)
    %dma_wait3A_42 = arith.constant 1024 : i32
    %dma_wait3A_43 = tpu.memref_slice %arg5[%dma_wait3A_42] : memref<13312xi32, #tpu.memory_space<vmem>> -> memref<1024xi32, #tpu.memory_space<vmem>>
    %dma_wait3A_44 = arith.constant 0 : i32
    %dma_wait3A_45 = arith.constant 0 : i32
    %dma_wait3A_46 = tpu.memref_slice %arg3[%dma_wait3A_44, %dma_wait3A_45] : memref<1007616x32xf32, #tpu.memory_space<hbm>> -> memref<1007616x32xf32, #tpu.memory_space<hbm>>
    tpu.wait_indirect_dma semaphore(%arg9 : memref<!tpu.dma_semaphore, #tpu.memory_space<semaphore_mem>>) src(%dma_wait3A_46 : memref<1007616x32xf32, #tpu.memory_space<hbm>>) dst(%arg8 : memref<1024x32xf32, #tpu.memory_space<vmem>>)
    %dma_start3A_47 = arith.constant 1 : i32
    %dma_start3A_48 = arith.constant 0 : i32
    %dma_start3A_49 = tpu.memref_slice %arg6[%dma_start3A_47, %dma_start3A_48] : memref<13x1024xi32, #tpu.memory_space<vmem>> -> memref<1x1024xi32, #tpu.memory_space<vmem>>
    %dma_start3A_50 = tpu.memref_squeeze %dma_start3A_49 : memref<1x1024xi32, #tpu.memory_space<vmem>> -> memref<1024xi32, #tpu.memory_space<vmem>>
    %dma_start3A_51 = arith.constant 0 : i32
    %dma_start3A_52 = arith.constant 0 : i32
    %dma_start3A_53 = tpu.memref_slice %arg4[%dma_start3A_51, %dma_start3A_52] : memref<2097152x32xf32, #tpu.memory_space<hbm>> -> memref<2097152x32xf32, #tpu.memory_space<hbm>>
    tpu.enqueue_indirect_dma source(%arg8 : memref<1024x32xf32, #tpu.memory_space<vmem>>) target(%dma_start3A_53 : memref<2097152x32xf32, #tpu.memory_space<hbm>>) offsets(%dma_start3A_50 : memref<1024xi32, #tpu.memory_space<vmem>>) semaphore(%arg10 : memref<!tpu.dma_semaphore, #tpu.memory_space<semaphore_mem>>)
    %dma_wait3A_54 = arith.constant 1 : i32
    %dma_wait3A_55 = arith.constant 0 : i32
    %dma_wait3A_56 = tpu.memref_slice %arg6[%dma_wait3A_54, %dma_wait3A_55] : memref<13x1024xi32, #tpu.memory_space<vmem>> -> memref<1x1024xi32, #tpu.memory_space<vmem>>
    %dma_wait3A_57 = tpu.memref_squeeze %dma_wait3A_56 : memref<1x1024xi32, #tpu.memory_space<vmem>> -> memref<1024xi32, #tpu.memory_space<vmem>>
    %dma_wait3A_58 = arith.constant 0 : i32
    %dma_wait3A_59 = arith.constant 0 : i32
    %dma_wait3A_60 = tpu.memref_slice %arg4[%dma_wait3A_58, %dma_wait3A_59] : memref<2097152x32xf32, #tpu.memory_space<hbm>> -> memref<2097152x32xf32, #tpu.memory_space<hbm>>
    tpu.wait_indirect_dma semaphore(%arg10 : memref<!tpu.dma_semaphore, #tpu.memory_space<semaphore_mem>>) src(%arg8 : memref<1024x32xf32, #tpu.memory_space<vmem>>) dst(%dma_wait3A_60 : memref<2097152x32xf32, #tpu.memory_space<hbm>>)
    %dma_start3A_61 = arith.constant 3072 : i32
    %dma_start3A_62 = tpu.memref_slice %arg5[%dma_start3A_61] : memref<13312xi32, #tpu.memory_space<vmem>> -> memref<1024xi32, #tpu.memory_space<vmem>>
    %dma_start3A_63 = arith.constant 0 : i32
    %dma_start3A_64 = arith.constant 0 : i32
    %dma_start3A_65 = tpu.memref_slice %arg3[%dma_start3A_63, %dma_start3A_64] : memref<1007616x32xf32, #tpu.memory_space<hbm>> -> memref<1007616x32xf32, #tpu.memory_space<hbm>>
    tpu.enqueue_indirect_dma source(%dma_start3A_65 : memref<1007616x32xf32, #tpu.memory_space<hbm>>) target(%arg8 : memref<1024x32xf32, #tpu.memory_space<vmem>>) offsets(%dma_start3A_62 : memref<1024xi32, #tpu.memory_space<vmem>>) semaphore(%arg9 : memref<!tpu.dma_semaphore, #tpu.memory_space<semaphore_mem>>)
    %dma_wait3A_66 = arith.constant 2048 : i32
    %dma_wait3A_67 = tpu.memref_slice %arg5[%dma_wait3A_66] : memref<13312xi32, #tpu.memory_space<vmem>> -> memref<1024xi32, #tpu.memory_space<vmem>>
    %dma_wait3A_68 = arith.constant 0 : i32
    %dma_wait3A_69 = arith.constant 0 : i32
    %dma_wait3A_70 = tpu.memref_slice %arg3[%dma_wait3A_68, %dma_wait3A_69] : memref<1007616x32xf32, #tpu.memory_space<hbm>> -> memref<1007616x32xf32, #tpu.memory_space<hbm>>
    tpu.wait_indirect_dma semaphore(%arg9 : memref<!tpu.dma_semaphore, #tpu.memory_space<semaphore_mem>>) src(%dma_wait3A_70 : memref<1007616x32xf32, #tpu.memory_space<hbm>>) dst(%arg7 : memref<1024x32xf32, #tpu.memory_space<vmem>>)
    %dma_start3A_71 = arith.constant 2 : i32
    %dma_start3A_72 = arith.constant 0 : i32
    %dma_start3A_73 = tpu.memref_slice %arg6[%dma_start3A_71, %dma_start3A_72] : memref<13x1024xi32, #tpu.memory_space<vmem>> -> memref<1x1024xi32, #tpu.memory_space<vmem>>
    %dma_start3A_74 = tpu.memref_squeeze %dma_start3A_73 : memref<1x1024xi32, #tpu.memory_space<vmem>> -> memref<1024xi32, #tpu.memory_space<vmem>>
    %dma_start3A_75 = arith.constant 0 : i32
    %dma_start3A_76 = arith.constant 0 : i32
    %dma_start3A_77 = tpu.memref_slice %arg4[%dma_start3A_75, %dma_start3A_76] : memref<2097152x32xf32, #tpu.memory_space<hbm>> -> memref<2097152x32xf32, #tpu.memory_space<hbm>>
    tpu.enqueue_indirect_dma source(%arg7 : memref<1024x32xf32, #tpu.memory_space<vmem>>) target(%dma_start3A_77 : memref<2097152x32xf32, #tpu.memory_space<hbm>>) offsets(%dma_start3A_74 : memref<1024xi32, #tpu.memory_space<vmem>>) semaphore(%arg10 : memref<!tpu.dma_semaphore, #tpu.memory_space<semaphore_mem>>)
    %dma_wait3A_78 = arith.constant 2 : i32
    %dma_wait3A_79 = arith.constant 0 : i32
    %dma_wait3A_80 = tpu.memref_slice %arg6[%dma_wait3A_78, %dma_wait3A_79] : memref<13x1024xi32, #tpu.memory_space<vmem>> -> memref<1x1024xi32, #tpu.memory_space<vmem>>
    %dma_wait3A_81 = tpu.memref_squeeze %dma_wait3A_80 : memref<1x1024xi32, #tpu.memory_space<vmem>> -> memref<1024xi32, #tpu.memory_space<vmem>>
    %dma_wait3A_82 = arith.constant 0 : i32
    %dma_wait3A_83 = arith.constant 0 : i32
    %dma_wait3A_84 = tpu.memref_slice %arg4[%dma_wait3A_82, %dma_wait3A_83] : memref<2097152x32xf32, #tpu.memory_space<hbm>> -> memref<2097152x32xf32, #tpu.memory_space<hbm>>
    tpu.wait_indirect_dma semaphore(%arg10 : memref<!tpu.dma_semaphore, #tpu.memory_space<semaphore_mem>>) src(%arg7 : memref<1024x32xf32, #tpu.memory_space<vmem>>) dst(%dma_wait3A_84 : memref<2097152x32xf32, #tpu.memory_space<hbm>>)
    %dma_start3A_85 = arith.constant 4096 : i32
    %dma_start3A_86 = tpu.memref_slice %arg5[%dma_start3A_85] : memref<13312xi32, #tpu.memory_space<vmem>> -> memref<1024xi32, #tpu.memory_space<vmem>>
    %dma_start3A_87 = arith.constant 0 : i32
    %dma_start3A_88 = arith.constant 0 : i32
    %dma_start3A_89 = tpu.memref_slice %arg3[%dma_start3A_87, %dma_start3A_88] : memref<1007616x32xf32, #tpu.memory_space<hbm>> -> memref<1007616x32xf32, #tpu.memory_space<hbm>>
    tpu.enqueue_indirect_dma source(%dma_start3A_89 : memref<1007616x32xf32, #tpu.memory_space<hbm>>) target(%arg7 : memref<1024x32xf32, #tpu.memory_space<vmem>>) offsets(%dma_start3A_86 : memref<1024xi32, #tpu.memory_space<vmem>>) semaphore(%arg9 : memref<!tpu.dma_semaphore, #tpu.memory_space<semaphore_mem>>)
    %dma_wait3A_90 = arith.constant 3072 : i32
    %dma_wait3A_91 = tpu.memref_slice %arg5[%dma_wait3A_90] : memref<13312xi32, #tpu.memory_space<vmem>> -> memref<1024xi32, #tpu.memory_space<vmem>>
    %dma_wait3A_92 = arith.constant 0 : i32
    %dma_wait3A_93 = arith.constant 0 : i32
    %dma_wait3A_94 = tpu.memref_slice %arg3[%dma_wait3A_92, %dma_wait3A_93] : memref<1007616x32xf32, #tpu.memory_space<hbm>> -> memref<1007616x32xf32, #tpu.memory_space<hbm>>
    tpu.wait_indirect_dma semaphore(%arg9 : memref<!tpu.dma_semaphore, #tpu.memory_space<semaphore_mem>>) src(%dma_wait3A_94 : memref<1007616x32xf32, #tpu.memory_space<hbm>>) dst(%arg8 : memref<1024x32xf32, #tpu.memory_space<vmem>>)
    %dma_start3A_95 = arith.constant 3 : i32
    %dma_start3A_96 = arith.constant 0 : i32
    %dma_start3A_97 = tpu.memref_slice %arg6[%dma_start3A_95, %dma_start3A_96] : memref<13x1024xi32, #tpu.memory_space<vmem>> -> memref<1x1024xi32, #tpu.memory_space<vmem>>
    %dma_start3A_98 = tpu.memref_squeeze %dma_start3A_97 : memref<1x1024xi32, #tpu.memory_space<vmem>> -> memref<1024xi32, #tpu.memory_space<vmem>>
    %dma_start3A_99 = arith.constant 0 : i32
    %dma_start3A_100 = arith.constant 0 : i32
    %dma_start3A_101 = tpu.memref_slice %arg4[%dma_start3A_99, %dma_start3A_100] : memref<2097152x32xf32, #tpu.memory_space<hbm>> -> memref<2097152x32xf32, #tpu.memory_space<hbm>>
    tpu.enqueue_indirect_dma source(%arg8 : memref<1024x32xf32, #tpu.memory_space<vmem>>) target(%dma_start3A_101 : memref<2097152x32xf32, #tpu.memory_space<hbm>>) offsets(%dma_start3A_98 : memref<1024xi32, #tpu.memory_space<vmem>>) semaphore(%arg10 : memref<!tpu.dma_semaphore, #tpu.memory_space<semaphore_mem>>)
    %dma_wait3A_102 = arith.constant 3 : i32
    %dma_wait3A_103 = arith.constant 0 : i32
    %dma_wait3A_104 = tpu.memref_slice %arg6[%dma_wait3A_102, %dma_wait3A_103] : memref<13x1024xi32, #tpu.memory_space<vmem>> -> memref<1x1024xi32, #tpu.memory_space<vmem>>
    %dma_wait3A_105 = tpu.memref_squeeze %dma_wait3A_104 : memref<1x1024xi32, #tpu.memory_space<vmem>> -> memref<1024xi32, #tpu.memory_space<vmem>>
    %dma_wait3A_106 = arith.constant 0 : i32
    %dma_wait3A_107 = arith.constant 0 : i32
    %dma_wait3A_108 = tpu.memref_slice %arg4[%dma_wait3A_106, %dma_wait3A_107] : memref<2097152x32xf32, #tpu.memory_space<hbm>> -> memref<2097152x32xf32, #tpu.memory_space<hbm>>
    tpu.wait_indirect_dma semaphore(%arg10 : memref<!tpu.dma_semaphore, #tpu.memory_space<semaphore_mem>>) src(%arg8 : memref<1024x32xf32, #tpu.memory_space<vmem>>) dst(%dma_wait3A_108 : memref<2097152x32xf32, #tpu.memory_space<hbm>>)
    %dma_start3A_109 = arith.constant 5120 : i32
    %dma_start3A_110 = tpu.memref_slice %arg5[%dma_start3A_109] : memref<13312xi32, #tpu.memory_space<vmem>> -> memref<1024xi32, #tpu.memory_space<vmem>>
    %dma_start3A_111 = arith.constant 0 : i32
    %dma_start3A_112 = arith.constant 0 : i32
    %dma_start3A_113 = tpu.memref_slice %arg3[%dma_start3A_111, %dma_start3A_112] : memref<1007616x32xf32, #tpu.memory_space<hbm>> -> memref<1007616x32xf32, #tpu.memory_space<hbm>>
    tpu.enqueue_indirect_dma source(%dma_start3A_113 : memref<1007616x32xf32, #tpu.memory_space<hbm>>) target(%arg8 : memref<1024x32xf32, #tpu.memory_space<vmem>>) offsets(%dma_start3A_110 : memref<1024xi32, #tpu.memory_space<vmem>>) semaphore(%arg9 : memref<!tpu.dma_semaphore, #tpu.memory_space<semaphore_mem>>)
    %dma_wait3A_114 = arith.constant 4096 : i32
    %dma_wait3A_115 = tpu.memref_slice %arg5[%dma_wait3A_114] : memref<13312xi32, #tpu.memory_space<vmem>> -> memref<1024xi32, #tpu.memory_space<vmem>>
    %dma_wait3A_116 = arith.constant 0 : i32
    %dma_wait3A_117 = arith.constant 0 : i32
    %dma_wait3A_118 = tpu.memref_slice %arg3[%dma_wait3A_116, %dma_wait3A_117] : memref<1007616x32xf32, #tpu.memory_space<hbm>> -> memref<1007616x32xf32, #tpu.memory_space<hbm>>
    tpu.wait_indirect_dma semaphore(%arg9 : memref<!tpu.dma_semaphore, #tpu.memory_space<semaphore_mem>>) src(%dma_wait3A_118 : memref<1007616x32xf32, #tpu.memory_space<hbm>>) dst(%arg7 : memref<1024x32xf32, #tpu.memory_space<vmem>>)
    %dma_start3A_119 = arith.constant 4 : i32
    %dma_start3A_120 = arith.constant 0 : i32
    %dma_start3A_121 = tpu.memref_slice %arg6[%dma_start3A_119, %dma_start3A_120] : memref<13x1024xi32, #tpu.memory_space<vmem>> -> memref<1x1024xi32, #tpu.memory_space<vmem>>
    %dma_start3A_122 = tpu.memref_squeeze %dma_start3A_121 : memref<1x1024xi32, #tpu.memory_space<vmem>> -> memref<1024xi32, #tpu.memory_space<vmem>>
    %dma_start3A_123 = arith.constant 0 : i32
    %dma_start3A_124 = arith.constant 0 : i32
    %dma_start3A_125 = tpu.memref_slice %arg4[%dma_start3A_123, %dma_start3A_124] : memref<2097152x32xf32, #tpu.memory_space<hbm>> -> memref<2097152x32xf32, #tpu.memory_space<hbm>>
    tpu.enqueue_indirect_dma source(%arg7 : memref<1024x32xf32, #tpu.memory_space<vmem>>) target(%dma_start3A_125 : memref<2097152x32xf32, #tpu.memory_space<hbm>>) offsets(%dma_start3A_122 : memref<1024xi32, #tpu.memory_space<vmem>>) semaphore(%arg10 : memref<!tpu.dma_semaphore, #tpu.memory_space<semaphore_mem>>)
    %dma_wait3A_126 = arith.constant 4 : i32
    %dma_wait3A_127 = arith.constant 0 : i32
    %dma_wait3A_128 = tpu.memref_slice %arg6[%dma_wait3A_126, %dma_wait3A_127] : memref<13x1024xi32, #tpu.memory_space<vmem>> -> memref<1x1024xi32, #tpu.memory_space<vmem>>
    %dma_wait3A_129 = tpu.memref_squeeze %dma_wait3A_128 : memref<1x1024xi32, #tpu.memory_space<vmem>> -> memref<1024xi32, #tpu.memory_space<vmem>>
    %dma_wait3A_130 = arith.constant 0 : i32
    %dma_wait3A_131 = arith.constant 0 : i32
    %dma_wait3A_132 = tpu.memref_slice %arg4[%dma_wait3A_130, %dma_wait3A_131] : memref<2097152x32xf32, #tpu.memory_space<hbm>> -> memref<2097152x32xf32, #tpu.memory_space<hbm>>
    tpu.wait_indirect_dma semaphore(%arg10 : memref<!tpu.dma_semaphore, #tpu.memory_space<semaphore_mem>>) src(%arg7 : memref<1024x32xf32, #tpu.memory_space<vmem>>) dst(%dma_wait3A_132 : memref<2097152x32xf32, #tpu.memory_space<hbm>>)
    %dma_start3A_133 = arith.constant 6144 : i32
    %dma_start3A_134 = tpu.memref_slice %arg5[%dma_start3A_133] : memref<13312xi32, #tpu.memory_space<vmem>> -> memref<1024xi32, #tpu.memory_space<vmem>>
    %dma_start3A_135 = arith.constant 0 : i32
    %dma_start3A_136 = arith.constant 0 : i32
    %dma_start3A_137 = tpu.memref_slice %arg3[%dma_start3A_135, %dma_start3A_136] : memref<1007616x32xf32, #tpu.memory_space<hbm>> -> memref<1007616x32xf32, #tpu.memory_space<hbm>>
    tpu.enqueue_indirect_dma source(%dma_start3A_137 : memref<1007616x32xf32, #tpu.memory_space<hbm>>) target(%arg7 : memref<1024x32xf32, #tpu.memory_space<vmem>>) offsets(%dma_start3A_134 : memref<1024xi32, #tpu.memory_space<vmem>>) semaphore(%arg9 : memref<!tpu.dma_semaphore, #tpu.memory_space<semaphore_mem>>)
    %dma_wait3A_138 = arith.constant 5120 : i32
    %dma_wait3A_139 = tpu.memref_slice %arg5[%dma_wait3A_138] : memref<13312xi32, #tpu.memory_space<vmem>> -> memref<1024xi32, #tpu.memory_space<vmem>>
    %dma_wait3A_140 = arith.constant 0 : i32
    %dma_wait3A_141 = arith.constant 0 : i32
    %dma_wait3A_142 = tpu.memref_slice %arg3[%dma_wait3A_140, %dma_wait3A_141] : memref<1007616x32xf32, #tpu.memory_space<hbm>> -> memref<1007616x32xf32, #tpu.memory_space<hbm>>
    tpu.wait_indirect_dma semaphore(%arg9 : memref<!tpu.dma_semaphore, #tpu.memory_space<semaphore_mem>>) src(%dma_wait3A_142 : memref<1007616x32xf32, #tpu.memory_space<hbm>>) dst(%arg8 : memref<1024x32xf32, #tpu.memory_space<vmem>>)
    %dma_start3A_143 = arith.constant 5 : i32
    %dma_start3A_144 = arith.constant 0 : i32
    %dma_start3A_145 = tpu.memref_slice %arg6[%dma_start3A_143, %dma_start3A_144] : memref<13x1024xi32, #tpu.memory_space<vmem>> -> memref<1x1024xi32, #tpu.memory_space<vmem>>
    %dma_start3A_146 = tpu.memref_squeeze %dma_start3A_145 : memref<1x1024xi32, #tpu.memory_space<vmem>> -> memref<1024xi32, #tpu.memory_space<vmem>>
    %dma_start3A_147 = arith.constant 0 : i32
    %dma_start3A_148 = arith.constant 0 : i32
    %dma_start3A_149 = tpu.memref_slice %arg4[%dma_start3A_147, %dma_start3A_148] : memref<2097152x32xf32, #tpu.memory_space<hbm>> -> memref<2097152x32xf32, #tpu.memory_space<hbm>>
    tpu.enqueue_indirect_dma source(%arg8 : memref<1024x32xf32, #tpu.memory_space<vmem>>) target(%dma_start3A_149 : memref<2097152x32xf32, #tpu.memory_space<hbm>>) offsets(%dma_start3A_146 : memref<1024xi32, #tpu.memory_space<vmem>>) semaphore(%arg10 : memref<!tpu.dma_semaphore, #tpu.memory_space<semaphore_mem>>)
    %dma_wait3A_150 = arith.constant 5 : i32
    %dma_wait3A_151 = arith.constant 0 : i32
    %dma_wait3A_152 = tpu.memref_slice %arg6[%dma_wait3A_150, %dma_wait3A_151] : memref<13x1024xi32, #tpu.memory_space<vmem>> -> memref<1x1024xi32, #tpu.memory_space<vmem>>
    %dma_wait3A_153 = tpu.memref_squeeze %dma_wait3A_152 : memref<1x1024xi32, #tpu.memory_space<vmem>> -> memref<1024xi32, #tpu.memory_space<vmem>>
    %dma_wait3A_154 = arith.constant 0 : i32
    %dma_wait3A_155 = arith.constant 0 : i32
    %dma_wait3A_156 = tpu.memref_slice %arg4[%dma_wait3A_154, %dma_wait3A_155] : memref<2097152x32xf32, #tpu.memory_space<hbm>> -> memref<2097152x32xf32, #tpu.memory_space<hbm>>
    tpu.wait_indirect_dma semaphore(%arg10 : memref<!tpu.dma_semaphore, #tpu.memory_space<semaphore_mem>>) src(%arg8 : memref<1024x32xf32, #tpu.memory_space<vmem>>) dst(%dma_wait3A_156 : memref<2097152x32xf32, #tpu.memory_space<hbm>>)
    %dma_start3A_157 = arith.constant 7168 : i32
    %dma_start3A_158 = tpu.memref_slice %arg5[%dma_start3A_157] : memref<13312xi32, #tpu.memory_space<vmem>> -> memref<1024xi32, #tpu.memory_space<vmem>>
    %dma_start3A_159 = arith.constant 0 : i32
    %dma_start3A_160 = arith.constant 0 : i32
    %dma_start3A_161 = tpu.memref_slice %arg3[%dma_start3A_159, %dma_start3A_160] : memref<1007616x32xf32, #tpu.memory_space<hbm>> -> memref<1007616x32xf32, #tpu.memory_space<hbm>>
    tpu.enqueue_indirect_dma source(%dma_start3A_161 : memref<1007616x32xf32, #tpu.memory_space<hbm>>) target(%arg8 : memref<1024x32xf32, #tpu.memory_space<vmem>>) offsets(%dma_start3A_158 : memref<1024xi32, #tpu.memory_space<vmem>>) semaphore(%arg9 : memref<!tpu.dma_semaphore, #tpu.memory_space<semaphore_mem>>)
    %dma_wait3A_162 = arith.constant 6144 : i32
    %dma_wait3A_163 = tpu.memref_slice %arg5[%dma_wait3A_162] : memref<13312xi32, #tpu.memory_space<vmem>> -> memref<1024xi32, #tpu.memory_space<vmem>>
    %dma_wait3A_164 = arith.constant 0 : i32
    %dma_wait3A_165 = arith.constant 0 : i32
    %dma_wait3A_166 = tpu.memref_slice %arg3[%dma_wait3A_164, %dma_wait3A_165] : memref<1007616x32xf32, #tpu.memory_space<hbm>> -> memref<1007616x32xf32, #tpu.memory_space<hbm>>
    tpu.wait_indirect_dma semaphore(%arg9 : memref<!tpu.dma_semaphore, #tpu.memory_space<semaphore_mem>>) src(%dma_wait3A_166 : memref<1007616x32xf32, #tpu.memory_space<hbm>>) dst(%arg7 : memref<1024x32xf32, #tpu.memory_space<vmem>>)
    %dma_start3A_167 = arith.constant 6 : i32
    %dma_start3A_168 = arith.constant 0 : i32
    %dma_start3A_169 = tpu.memref_slice %arg6[%dma_start3A_167, %dma_start3A_168] : memref<13x1024xi32, #tpu.memory_space<vmem>> -> memref<1x1024xi32, #tpu.memory_space<vmem>>
    %dma_start3A_170 = tpu.memref_squeeze %dma_start3A_169 : memref<1x1024xi32, #tpu.memory_space<vmem>> -> memref<1024xi32, #tpu.memory_space<vmem>>
    %dma_start3A_171 = arith.constant 0 : i32
    %dma_start3A_172 = arith.constant 0 : i32
    %dma_start3A_173 = tpu.memref_slice %arg4[%dma_start3A_171, %dma_start3A_172] : memref<2097152x32xf32, #tpu.memory_space<hbm>> -> memref<2097152x32xf32, #tpu.memory_space<hbm>>
    tpu.enqueue_indirect_dma source(%arg7 : memref<1024x32xf32, #tpu.memory_space<vmem>>) target(%dma_start3A_173 : memref<2097152x32xf32, #tpu.memory_space<hbm>>) offsets(%dma_start3A_170 : memref<1024xi32, #tpu.memory_space<vmem>>) semaphore(%arg10 : memref<!tpu.dma_semaphore, #tpu.memory_space<semaphore_mem>>)
    %dma_wait3A_174 = arith.constant 6 : i32
    %dma_wait3A_175 = arith.constant 0 : i32
    %dma_wait3A_176 = tpu.memref_slice %arg6[%dma_wait3A_174, %dma_wait3A_175] : memref<13x1024xi32, #tpu.memory_space<vmem>> -> memref<1x1024xi32, #tpu.memory_space<vmem>>
    %dma_wait3A_177 = tpu.memref_squeeze %dma_wait3A_176 : memref<1x1024xi32, #tpu.memory_space<vmem>> -> memref<1024xi32, #tpu.memory_space<vmem>>
    %dma_wait3A_178 = arith.constant 0 : i32
    %dma_wait3A_179 = arith.constant 0 : i32
    %dma_wait3A_180 = tpu.memref_slice %arg4[%dma_wait3A_178, %dma_wait3A_179] : memref<2097152x32xf32, #tpu.memory_space<hbm>> -> memref<2097152x32xf32, #tpu.memory_space<hbm>>
    tpu.wait_indirect_dma semaphore(%arg10 : memref<!tpu.dma_semaphore, #tpu.memory_space<semaphore_mem>>) src(%arg7 : memref<1024x32xf32, #tpu.memory_space<vmem>>) dst(%dma_wait3A_180 : memref<2097152x32xf32, #tpu.memory_space<hbm>>)
    %dma_start3A_181 = arith.constant 8192 : i32
    %dma_start3A_182 = tpu.memref_slice %arg5[%dma_start3A_181] : memref<13312xi32, #tpu.memory_space<vmem>> -> memref<1024xi32, #tpu.memory_space<vmem>>
    %dma_start3A_183 = arith.constant 0 : i32
    %dma_start3A_184 = arith.constant 0 : i32
    %dma_start3A_185 = tpu.memref_slice %arg3[%dma_start3A_183, %dma_start3A_184] : memref<1007616x32xf32, #tpu.memory_space<hbm>> -> memref<1007616x32xf32, #tpu.memory_space<hbm>>
    tpu.enqueue_indirect_dma source(%dma_start3A_185 : memref<1007616x32xf32, #tpu.memory_space<hbm>>) target(%arg7 : memref<1024x32xf32, #tpu.memory_space<vmem>>) offsets(%dma_start3A_182 : memref<1024xi32, #tpu.memory_space<vmem>>) semaphore(%arg9 : memref<!tpu.dma_semaphore, #tpu.memory_space<semaphore_mem>>)
    %dma_wait3A_186 = arith.constant 7168 : i32
    %dma_wait3A_187 = tpu.memref_slice %arg5[%dma_wait3A_186] : memref<13312xi32, #tpu.memory_space<vmem>> -> memref<1024xi32, #tpu.memory_space<vmem>>
    %dma_wait3A_188 = arith.constant 0 : i32
    %dma_wait3A_189 = arith.constant 0 : i32
    %dma_wait3A_190 = tpu.memref_slice %arg3[%dma_wait3A_188, %dma_wait3A_189] : memref<1007616x32xf32, #tpu.memory_space<hbm>> -> memref<1007616x32xf32, #tpu.memory_space<hbm>>
    tpu.wait_indirect_dma semaphore(%arg9 : memref<!tpu.dma_semaphore, #tpu.memory_space<semaphore_mem>>) src(%dma_wait3A_190 : memref<1007616x32xf32, #tpu.memory_space<hbm>>) dst(%arg8 : memref<1024x32xf32, #tpu.memory_space<vmem>>)
    %dma_start3A_191 = arith.constant 7 : i32
    %dma_start3A_192 = arith.constant 0 : i32
    %dma_start3A_193 = tpu.memref_slice %arg6[%dma_start3A_191, %dma_start3A_192] : memref<13x1024xi32, #tpu.memory_space<vmem>> -> memref<1x1024xi32, #tpu.memory_space<vmem>>
    %dma_start3A_194 = tpu.memref_squeeze %dma_start3A_193 : memref<1x1024xi32, #tpu.memory_space<vmem>> -> memref<1024xi32, #tpu.memory_space<vmem>>
    %dma_start3A_195 = arith.constant 0 : i32
    %dma_start3A_196 = arith.constant 0 : i32
    %dma_start3A_197 = tpu.memref_slice %arg4[%dma_start3A_195, %dma_start3A_196] : memref<2097152x32xf32, #tpu.memory_space<hbm>> -> memref<2097152x32xf32, #tpu.memory_space<hbm>>
    tpu.enqueue_indirect_dma source(%arg8 : memref<1024x32xf32, #tpu.memory_space<vmem>>) target(%dma_start3A_197 : memref<2097152x32xf32, #tpu.memory_space<hbm>>) offsets(%dma_start3A_194 : memref<1024xi32, #tpu.memory_space<vmem>>) semaphore(%arg10 : memref<!tpu.dma_semaphore, #tpu.memory_space<semaphore_mem>>)
    %dma_wait3A_198 = arith.constant 7 : i32
    %dma_wait3A_199 = arith.constant 0 : i32
    %dma_wait3A_200 = tpu.memref_slice %arg6[%dma_wait3A_198, %dma_wait3A_199] : memref<13x1024xi32, #tpu.memory_space<vmem>> -> memref<1x1024xi32, #tpu.memory_space<vmem>>
    %dma_wait3A_201 = tpu.memref_squeeze %dma_wait3A_200 : memref<1x1024xi32, #tpu.memory_space<vmem>> -> memref<1024xi32, #tpu.memory_space<vmem>>
    %dma_wait3A_202 = arith.constant 0 : i32
    %dma_wait3A_203 = arith.constant 0 : i32
    %dma_wait3A_204 = tpu.memref_slice %arg4[%dma_wait3A_202, %dma_wait3A_203] : memref<2097152x32xf32, #tpu.memory_space<hbm>> -> memref<2097152x32xf32, #tpu.memory_space<hbm>>
    tpu.wait_indirect_dma semaphore(%arg10 : memref<!tpu.dma_semaphore, #tpu.memory_space<semaphore_mem>>) src(%arg8 : memref<1024x32xf32, #tpu.memory_space<vmem>>) dst(%dma_wait3A_204 : memref<2097152x32xf32, #tpu.memory_space<hbm>>)
    %dma_start3A_205 = arith.constant 9216 : i32
    %dma_start3A_206 = tpu.memref_slice %arg5[%dma_start3A_205] : memref<13312xi32, #tpu.memory_space<vmem>> -> memref<1024xi32, #tpu.memory_space<vmem>>
    %dma_start3A_207 = arith.constant 0 : i32
    %dma_start3A_208 = arith.constant 0 : i32
    %dma_start3A_209 = tpu.memref_slice %arg3[%dma_start3A_207, %dma_start3A_208] : memref<1007616x32xf32, #tpu.memory_space<hbm>> -> memref<1007616x32xf32, #tpu.memory_space<hbm>>
    tpu.enqueue_indirect_dma source(%dma_start3A_209 : memref<1007616x32xf32, #tpu.memory_space<hbm>>) target(%arg8 : memref<1024x32xf32, #tpu.memory_space<vmem>>) offsets(%dma_start3A_206 : memref<1024xi32, #tpu.memory_space<vmem>>) semaphore(%arg9 : memref<!tpu.dma_semaphore, #tpu.memory_space<semaphore_mem>>)
    %dma_wait3A_210 = arith.constant 8192 : i32
    %dma_wait3A_211 = tpu.memref_slice %arg5[%dma_wait3A_210] : memref<13312xi32, #tpu.memory_space<vmem>> -> memref<1024xi32, #tpu.memory_space<vmem>>
    %dma_wait3A_212 = arith.constant 0 : i32
    %dma_wait3A_213 = arith.constant 0 : i32
    %dma_wait3A_214 = tpu.memref_slice %arg3[%dma_wait3A_212, %dma_wait3A_213] : memref<1007616x32xf32, #tpu.memory_space<hbm>> -> memref<1007616x32xf32, #tpu.memory_space<hbm>>
    tpu.wait_indirect_dma semaphore(%arg9 : memref<!tpu.dma_semaphore, #tpu.memory_space<semaphore_mem>>) src(%dma_wait3A_214 : memref<1007616x32xf32, #tpu.memory_space<hbm>>) dst(%arg7 : memref<1024x32xf32, #tpu.memory_space<vmem>>)
    %dma_start3A_215 = arith.constant 8 : i32
    %dma_start3A_216 = arith.constant 0 : i32
    %dma_start3A_217 = tpu.memref_slice %arg6[%dma_start3A_215, %dma_start3A_216] : memref<13x1024xi32, #tpu.memory_space<vmem>> -> memref<1x1024xi32, #tpu.memory_space<vmem>>
    %dma_start3A_218 = tpu.memref_squeeze %dma_start3A_217 : memref<1x1024xi32, #tpu.memory_space<vmem>> -> memref<1024xi32, #tpu.memory_space<vmem>>
    %dma_start3A_219 = arith.constant 0 : i32
    %dma_start3A_220 = arith.constant 0 : i32
    %dma_start3A_221 = tpu.memref_slice %arg4[%dma_start3A_219, %dma_start3A_220] : memref<2097152x32xf32, #tpu.memory_space<hbm>> -> memref<2097152x32xf32, #tpu.memory_space<hbm>>
    tpu.enqueue_indirect_dma source(%arg7 : memref<1024x32xf32, #tpu.memory_space<vmem>>) target(%dma_start3A_221 : memref<2097152x32xf32, #tpu.memory_space<hbm>>) offsets(%dma_start3A_218 : memref<1024xi32, #tpu.memory_space<vmem>>) semaphore(%arg10 : memref<!tpu.dma_semaphore, #tpu.memory_space<semaphore_mem>>)
    %dma_wait3A_222 = arith.constant 8 : i32
    %dma_wait3A_223 = arith.constant 0 : i32
    %dma_wait3A_224 = tpu.memref_slice %arg6[%dma_wait3A_222, %dma_wait3A_223] : memref<13x1024xi32, #tpu.memory_space<vmem>> -> memref<1x1024xi32, #tpu.memory_space<vmem>>
    %dma_wait3A_225 = tpu.memref_squeeze %dma_wait3A_224 : memref<1x1024xi32, #tpu.memory_space<vmem>> -> memref<1024xi32, #tpu.memory_space<vmem>>
    %dma_wait3A_226 = arith.constant 0 : i32
    %dma_wait3A_227 = arith.constant 0 : i32
    %dma_wait3A_228 = tpu.memref_slice %arg4[%dma_wait3A_226, %dma_wait3A_227] : memref<2097152x32xf32, #tpu.memory_space<hbm>> -> memref<2097152x32xf32, #tpu.memory_space<hbm>>
    tpu.wait_indirect_dma semaphore(%arg10 : memref<!tpu.dma_semaphore, #tpu.memory_space<semaphore_mem>>) src(%arg7 : memref<1024x32xf32, #tpu.memory_space<vmem>>) dst(%dma_wait3A_228 : memref<2097152x32xf32, #tpu.memory_space<hbm>>)
    %dma_start3A_229 = arith.constant 10240 : i32
    %dma_start3A_230 = tpu.memref_slice %arg5[%dma_start3A_229] : memref<13312xi32, #tpu.memory_space<vmem>> -> memref<1024xi32, #tpu.memory_space<vmem>>
    %dma_start3A_231 = arith.constant 0 : i32
    %dma_start3A_232 = arith.constant 0 : i32
    %dma_start3A_233 = tpu.memref_slice %arg3[%dma_start3A_231, %dma_start3A_232] : memref<1007616x32xf32, #tpu.memory_space<hbm>> -> memref<1007616x32xf32, #tpu.memory_space<hbm>>
    tpu.enqueue_indirect_dma source(%dma_start3A_233 : memref<1007616x32xf32, #tpu.memory_space<hbm>>) target(%arg7 : memref<1024x32xf32, #tpu.memory_space<vmem>>) offsets(%dma_start3A_230 : memref<1024xi32, #tpu.memory_space<vmem>>) semaphore(%arg9 : memref<!tpu.dma_semaphore, #tpu.memory_space<semaphore_mem>>)
    %dma_wait3A_234 = arith.constant 9216 : i32
    %dma_wait3A_235 = tpu.memref_slice %arg5[%dma_wait3A_234] : memref<13312xi32, #tpu.memory_space<vmem>> -> memref<1024xi32, #tpu.memory_space<vmem>>
    %dma_wait3A_236 = arith.constant 0 : i32
    %dma_wait3A_237 = arith.constant 0 : i32
    %dma_wait3A_238 = tpu.memref_slice %arg3[%dma_wait3A_236, %dma_wait3A_237] : memref<1007616x32xf32, #tpu.memory_space<hbm>> -> memref<1007616x32xf32, #tpu.memory_space<hbm>>
    tpu.wait_indirect_dma semaphore(%arg9 : memref<!tpu.dma_semaphore, #tpu.memory_space<semaphore_mem>>) src(%dma_wait3A_238 : memref<1007616x32xf32, #tpu.memory_space<hbm>>) dst(%arg8 : memref<1024x32xf32, #tpu.memory_space<vmem>>)
    %dma_start3A_239 = arith.constant 9 : i32
    %dma_start3A_240 = arith.constant 0 : i32
    %dma_start3A_241 = tpu.memref_slice %arg6[%dma_start3A_239, %dma_start3A_240] : memref<13x1024xi32, #tpu.memory_space<vmem>> -> memref<1x1024xi32, #tpu.memory_space<vmem>>
    %dma_start3A_242 = tpu.memref_squeeze %dma_start3A_241 : memref<1x1024xi32, #tpu.memory_space<vmem>> -> memref<1024xi32, #tpu.memory_space<vmem>>
    %dma_start3A_243 = arith.constant 0 : i32
    %dma_start3A_244 = arith.constant 0 : i32
    %dma_start3A_245 = tpu.memref_slice %arg4[%dma_start3A_243, %dma_start3A_244] : memref<2097152x32xf32, #tpu.memory_space<hbm>> -> memref<2097152x32xf32, #tpu.memory_space<hbm>>
    tpu.enqueue_indirect_dma source(%arg8 : memref<1024x32xf32, #tpu.memory_space<vmem>>) target(%dma_start3A_245 : memref<2097152x32xf32, #tpu.memory_space<hbm>>) offsets(%dma_start3A_242 : memref<1024xi32, #tpu.memory_space<vmem>>) semaphore(%arg10 : memref<!tpu.dma_semaphore, #tpu.memory_space<semaphore_mem>>)
    %dma_wait3A_246 = arith.constant 9 : i32
    %dma_wait3A_247 = arith.constant 0 : i32
    %dma_wait3A_248 = tpu.memref_slice %arg6[%dma_wait3A_246, %dma_wait3A_247] : memref<13x1024xi32, #tpu.memory_space<vmem>> -> memref<1x1024xi32, #tpu.memory_space<vmem>>
    %dma_wait3A_249 = tpu.memref_squeeze %dma_wait3A_248 : memref<1x1024xi32, #tpu.memory_space<vmem>> -> memref<1024xi32, #tpu.memory_space<vmem>>
    %dma_wait3A_250 = arith.constant 0 : i32
    %dma_wait3A_251 = arith.constant 0 : i32
    %dma_wait3A_252 = tpu.memref_slice %arg4[%dma_wait3A_250, %dma_wait3A_251] : memref<2097152x32xf32, #tpu.memory_space<hbm>> -> memref<2097152x32xf32, #tpu.memory_space<hbm>>
    tpu.wait_indirect_dma semaphore(%arg10 : memref<!tpu.dma_semaphore, #tpu.memory_space<semaphore_mem>>) src(%arg8 : memref<1024x32xf32, #tpu.memory_space<vmem>>) dst(%dma_wait3A_252 : memref<2097152x32xf32, #tpu.memory_space<hbm>>)
    %dma_start3A_253 = arith.constant 11264 : i32
    %dma_start3A_254 = tpu.memref_slice %arg5[%dma_start3A_253] : memref<13312xi32, #tpu.memory_space<vmem>> -> memref<1024xi32, #tpu.memory_space<vmem>>
    %dma_start3A_255 = arith.constant 0 : i32
    %dma_start3A_256 = arith.constant 0 : i32
    %dma_start3A_257 = tpu.memref_slice %arg3[%dma_start3A_255, %dma_start3A_256] : memref<1007616x32xf32, #tpu.memory_space<hbm>> -> memref<1007616x32xf32, #tpu.memory_space<hbm>>
    tpu.enqueue_indirect_dma source(%dma_start3A_257 : memref<1007616x32xf32, #tpu.memory_space<hbm>>) target(%arg8 : memref<1024x32xf32, #tpu.memory_space<vmem>>) offsets(%dma_start3A_254 : memref<1024xi32, #tpu.memory_space<vmem>>) semaphore(%arg9 : memref<!tpu.dma_semaphore, #tpu.memory_space<semaphore_mem>>)
    %dma_wait3A_258 = arith.constant 10240 : i32
    %dma_wait3A_259 = tpu.memref_slice %arg5[%dma_wait3A_258] : memref<13312xi32, #tpu.memory_space<vmem>> -> memref<1024xi32, #tpu.memory_space<vmem>>
    %dma_wait3A_260 = arith.constant 0 : i32
    %dma_wait3A_261 = arith.constant 0 : i32
    %dma_wait3A_262 = tpu.memref_slice %arg3[%dma_wait3A_260, %dma_wait3A_261] : memref<1007616x32xf32, #tpu.memory_space<hbm>> -> memref<1007616x32xf32, #tpu.memory_space<hbm>>
    tpu.wait_indirect_dma semaphore(%arg9 : memref<!tpu.dma_semaphore, #tpu.memory_space<semaphore_mem>>) src(%dma_wait3A_262 : memref<1007616x32xf32, #tpu.memory_space<hbm>>) dst(%arg7 : memref<1024x32xf32, #tpu.memory_space<vmem>>)
    %dma_start3A_263 = arith.constant 10 : i32
    %dma_start3A_264 = arith.constant 0 : i32
    %dma_start3A_265 = tpu.memref_slice %arg6[%dma_start3A_263, %dma_start3A_264] : memref<13x1024xi32, #tpu.memory_space<vmem>> -> memref<1x1024xi32, #tpu.memory_space<vmem>>
    %dma_start3A_266 = tpu.memref_squeeze %dma_start3A_265 : memref<1x1024xi32, #tpu.memory_space<vmem>> -> memref<1024xi32, #tpu.memory_space<vmem>>
    %dma_start3A_267 = arith.constant 0 : i32
    %dma_start3A_268 = arith.constant 0 : i32
    %dma_start3A_269 = tpu.memref_slice %arg4[%dma_start3A_267, %dma_start3A_268] : memref<2097152x32xf32, #tpu.memory_space<hbm>> -> memref<2097152x32xf32, #tpu.memory_space<hbm>>
    tpu.enqueue_indirect_dma source(%arg7 : memref<1024x32xf32, #tpu.memory_space<vmem>>) target(%dma_start3A_269 : memref<2097152x32xf32, #tpu.memory_space<hbm>>) offsets(%dma_start3A_266 : memref<1024xi32, #tpu.memory_space<vmem>>) semaphore(%arg10 : memref<!tpu.dma_semaphore, #tpu.memory_space<semaphore_mem>>)
    %dma_wait3A_270 = arith.constant 10 : i32
    %dma_wait3A_271 = arith.constant 0 : i32
    %dma_wait3A_272 = tpu.memref_slice %arg6[%dma_wait3A_270, %dma_wait3A_271] : memref<13x1024xi32, #tpu.memory_space<vmem>> -> memref<1x1024xi32, #tpu.memory_space<vmem>>
    %dma_wait3A_273 = tpu.memref_squeeze %dma_wait3A_272 : memref<1x1024xi32, #tpu.memory_space<vmem>> -> memref<1024xi32, #tpu.memory_space<vmem>>
    %dma_wait3A_274 = arith.constant 0 : i32
    %dma_wait3A_275 = arith.constant 0 : i32
    %dma_wait3A_276 = tpu.memref_slice %arg4[%dma_wait3A_274, %dma_wait3A_275] : memref<2097152x32xf32, #tpu.memory_space<hbm>> -> memref<2097152x32xf32, #tpu.memory_space<hbm>>
    tpu.wait_indirect_dma semaphore(%arg10 : memref<!tpu.dma_semaphore, #tpu.memory_space<semaphore_mem>>) src(%arg7 : memref<1024x32xf32, #tpu.memory_space<vmem>>) dst(%dma_wait3A_276 : memref<2097152x32xf32, #tpu.memory_space<hbm>>)
    %dma_start3A_277 = arith.constant 12288 : i32
    %dma_start3A_278 = tpu.memref_slice %arg5[%dma_start3A_277] : memref<13312xi32, #tpu.memory_space<vmem>> -> memref<1024xi32, #tpu.memory_space<vmem>>
    %dma_start3A_279 = arith.constant 0 : i32
    %dma_start3A_280 = arith.constant 0 : i32
    %dma_start3A_281 = tpu.memref_slice %arg3[%dma_start3A_279, %dma_start3A_280] : memref<1007616x32xf32, #tpu.memory_space<hbm>> -> memref<1007616x32xf32, #tpu.memory_space<hbm>>
    tpu.enqueue_indirect_dma source(%dma_start3A_281 : memref<1007616x32xf32, #tpu.memory_space<hbm>>) target(%arg7 : memref<1024x32xf32, #tpu.memory_space<vmem>>) offsets(%dma_start3A_278 : memref<1024xi32, #tpu.memory_space<vmem>>) semaphore(%arg9 : memref<!tpu.dma_semaphore, #tpu.memory_space<semaphore_mem>>)
    %dma_wait3A_282 = arith.constant 11264 : i32
    %dma_wait3A_283 = tpu.memref_slice %arg5[%dma_wait3A_282] : memref<13312xi32, #tpu.memory_space<vmem>> -> memref<1024xi32, #tpu.memory_space<vmem>>
    %dma_wait3A_284 = arith.constant 0 : i32
    %dma_wait3A_285 = arith.constant 0 : i32
    %dma_wait3A_286 = tpu.memref_slice %arg3[%dma_wait3A_284, %dma_wait3A_285] : memref<1007616x32xf32, #tpu.memory_space<hbm>> -> memref<1007616x32xf32, #tpu.memory_space<hbm>>
    tpu.wait_indirect_dma semaphore(%arg9 : memref<!tpu.dma_semaphore, #tpu.memory_space<semaphore_mem>>) src(%dma_wait3A_286 : memref<1007616x32xf32, #tpu.memory_space<hbm>>) dst(%arg8 : memref<1024x32xf32, #tpu.memory_space<vmem>>)
    %dma_start3A_287 = arith.constant 11 : i32
    %dma_start3A_288 = arith.constant 0 : i32
    %dma_start3A_289 = tpu.memref_slice %arg6[%dma_start3A_287, %dma_start3A_288] : memref<13x1024xi32, #tpu.memory_space<vmem>> -> memref<1x1024xi32, #tpu.memory_space<vmem>>
    %dma_start3A_290 = tpu.memref_squeeze %dma_start3A_289 : memref<1x1024xi32, #tpu.memory_space<vmem>> -> memref<1024xi32, #tpu.memory_space<vmem>>
    %dma_start3A_291 = arith.constant 0 : i32
    %dma_start3A_292 = arith.constant 0 : i32
    %dma_start3A_293 = tpu.memref_slice %arg4[%dma_start3A_291, %dma_start3A_292] : memref<2097152x32xf32, #tpu.memory_space<hbm>> -> memref<2097152x32xf32, #tpu.memory_space<hbm>>
    tpu.enqueue_indirect_dma source(%arg8 : memref<1024x32xf32, #tpu.memory_space<vmem>>) target(%dma_start3A_293 : memref<2097152x32xf32, #tpu.memory_space<hbm>>) offsets(%dma_start3A_290 : memref<1024xi32, #tpu.memory_space<vmem>>) semaphore(%arg10 : memref<!tpu.dma_semaphore, #tpu.memory_space<semaphore_mem>>)
    %dma_wait3A_294 = arith.constant 12288 : i32
    %dma_wait3A_295 = tpu.memref_slice %arg5[%dma_wait3A_294] : memref<13312xi32, #tpu.memory_space<vmem>> -> memref<1024xi32, #tpu.memory_space<vmem>>
    %dma_wait3A_296 = arith.constant 0 : i32
    %dma_wait3A_297 = arith.constant 0 : i32
    %dma_wait3A_298 = tpu.memref_slice %arg3[%dma_wait3A_296, %dma_wait3A_297] : memref<1007616x32xf32, #tpu.memory_space<hbm>> -> memref<1007616x32xf32, #tpu.memory_space<hbm>>
    tpu.wait_indirect_dma semaphore(%arg9 : memref<!tpu.dma_semaphore, #tpu.memory_space<semaphore_mem>>) src(%dma_wait3A_298 : memref<1007616x32xf32, #tpu.memory_space<hbm>>) dst(%arg7 : memref<1024x32xf32, #tpu.memory_space<vmem>>)
    %dma_start3A_299 = arith.constant 12 : i32
    %dma_start3A_300 = arith.constant 0 : i32
    %dma_start3A_301 = tpu.memref_slice %arg6[%dma_start3A_299, %dma_start3A_300] : memref<13x1024xi32, #tpu.memory_space<vmem>> -> memref<1x1024xi32, #tpu.memory_space<vmem>>
    %dma_start3A_302 = tpu.memref_squeeze %dma_start3A_301 : memref<1x1024xi32, #tpu.memory_space<vmem>> -> memref<1024xi32, #tpu.memory_space<vmem>>
    %dma_start3A_303 = arith.constant 0 : i32
    %dma_start3A_304 = arith.constant 0 : i32
    %dma_start3A_305 = tpu.memref_slice %arg4[%dma_start3A_303, %dma_start3A_304] : memref<2097152x32xf32, #tpu.memory_space<hbm>> -> memref<2097152x32xf32, #tpu.memory_space<hbm>>
    tpu.enqueue_indirect_dma source(%arg7 : memref<1024x32xf32, #tpu.memory_space<vmem>>) target(%dma_start3A_305 : memref<2097152x32xf32, #tpu.memory_space<hbm>>) offsets(%dma_start3A_302 : memref<1024xi32, #tpu.memory_space<vmem>>) semaphore(%arg10 : memref<!tpu.dma_semaphore, #tpu.memory_space<semaphore_mem>>)
    %dma_wait3A_306 = arith.constant 11 : i32
    %dma_wait3A_307 = arith.constant 0 : i32
    %dma_wait3A_308 = tpu.memref_slice %arg6[%dma_wait3A_306, %dma_wait3A_307] : memref<13x1024xi32, #tpu.memory_space<vmem>> -> memref<1x1024xi32, #tpu.memory_space<vmem>>
    %dma_wait3A_309 = tpu.memref_squeeze %dma_wait3A_308 : memref<1x1024xi32, #tpu.memory_space<vmem>> -> memref<1024xi32, #tpu.memory_space<vmem>>
    %dma_wait3A_310 = arith.constant 0 : i32
    %dma_wait3A_311 = arith.constant 0 : i32
    %dma_wait3A_312 = tpu.memref_slice %arg4[%dma_wait3A_310, %dma_wait3A_311] : memref<2097152x32xf32, #tpu.memory_space<hbm>> -> memref<2097152x32xf32, #tpu.memory_space<hbm>>
    tpu.wait_indirect_dma semaphore(%arg10 : memref<!tpu.dma_semaphore, #tpu.memory_space<semaphore_mem>>) src(%arg8 : memref<1024x32xf32, #tpu.memory_space<vmem>>) dst(%dma_wait3A_312 : memref<2097152x32xf32, #tpu.memory_space<hbm>>)
    %dma_wait3A_313 = arith.constant 12 : i32
    %dma_wait3A_314 = arith.constant 0 : i32
    %dma_wait3A_315 = tpu.memref_slice %arg6[%dma_wait3A_313, %dma_wait3A_314] : memref<13x1024xi32, #tpu.memory_space<vmem>> -> memref<1x1024xi32, #tpu.memory_space<vmem>>
    %dma_wait3A_316 = tpu.memref_squeeze %dma_wait3A_315 : memref<1x1024xi32, #tpu.memory_space<vmem>> -> memref<1024xi32, #tpu.memory_space<vmem>>
    %dma_wait3A_317 = arith.constant 0 : i32
    %dma_wait3A_318 = arith.constant 0 : i32
    %dma_wait3A_319 = tpu.memref_slice %arg4[%dma_wait3A_317, %dma_wait3A_318] : memref<2097152x32xf32, #tpu.memory_space<hbm>> -> memref<2097152x32xf32, #tpu.memory_space<hbm>>
    tpu.wait_indirect_dma semaphore(%arg10 : memref<!tpu.dma_semaphore, #tpu.memory_space<semaphore_mem>>) src(%arg7 : memref<1024x32xf32, #tpu.memory_space<vmem>>) dst(%dma_wait3A_319 : memref<2097152x32xf32, #tpu.memory_space<hbm>>)
    return
  }
}

module attributes {stable_mosaic.version = 14 : i64} {
  func.func @_tr_body(%arg0: i32, %arg1: memref<32x2048xf32, #tpu.memory_space<vmem>>, %arg2: memref<32x2048xf32, #tpu.memory_space<vmem>>, %arg3: memref<32x2048xf32, #tpu.memory_space<vmem>>, %arg4: memref<32x2048xf32, #tpu.memory_space<vmem>>, %arg5: memref<2048x128xf32, #tpu.memory_space<vmem>>) attributes {dimension_semantics = [#tpu.dimension_semantics<arbitrary>], iteration_bounds = array<i64: 123>, scalar_prefetch = 0 : i64, scratch_operands = 0 : i64, tpu.core_type = #tpu.core_type<tc>, window_params = [{transform_indices = @transform_0, window_bounds = array<i64: 32, 2048>}, {transform_indices = @transform_1, window_bounds = array<i64: 32, 2048>}, {transform_indices = @transform_2, window_bounds = array<i64: 32, 2048>}, {transform_indices = @transform_3, window_bounds = array<i64: 32, 2048>}, {transform_indices = @transform_4, window_bounds = array<i64: 2048, 128>}]} {
    %iota3A = tpu.iota {dimensions = array<i32: 0>} : vector<32x32xi32>
    %iota3A_0 = tpu.iota {dimensions = array<i32: 1>} : vector<32x32xi32>
    %add3A = arith.constant 0 : i32
    %add3A_1 = vector.broadcast %add3A : i32 to vector<32x32xi32>
    %add3A_2 = arith.addi %iota3A, %add3A_1 : vector<32x32xi32>
    %eq3A = arith.cmpi eq, %add3A_2, %iota3A_0 : vector<32x32xi32>
    %convert_element_type3A = arith.extui %eq3A : vector<32x32xi1> to vector<32x32xi32>
    %convert_element_type3A_3 = arith.sitofp %convert_element_type3A : vector<32x32xi32> to vector<32x32xf32>
    %get3A = arith.constant 0 : index
    %get3A_4 = arith.constant 0 : index
    %get3A_5 = vector.load %arg1[%get3A, %get3A_4] : memref<32x2048xf32, #tpu.memory_space<vmem>>, vector<32x2048xf32>
    %dot_general3A = arith.constant dense<0.000000e+00> : vector<2048x32xf32>
    %dot_general3A_6 = tpu.matmul %get3A_5, %convert_element_type3A_3, %dot_general3A {dimension_numbers = #tpu.dot_dimension_numbers<[0], [0], [1], [1], [0, 1, 1, 1], [], []>, transpose_lhs_hint = false} : vector<32x2048xf32>, vector<32x32xf32>, vector<2048x32xf32> -> vector<2048x32xf32>
    %get3A_7 = arith.constant 0 : index
    %get3A_8 = arith.constant 0 : index
    %get3A_9 = vector.load %arg2[%get3A_7, %get3A_8] : memref<32x2048xf32, #tpu.memory_space<vmem>>, vector<32x2048xf32>
    %dot_general3A_10 = arith.constant dense<0.000000e+00> : vector<2048x32xf32>
    %dot_general3A_11 = tpu.matmul %get3A_9, %convert_element_type3A_3, %dot_general3A_10 {dimension_numbers = #tpu.dot_dimension_numbers<[0], [0], [1], [1], [0, 1, 1, 1], [], []>, transpose_lhs_hint = false} : vector<32x2048xf32>, vector<32x32xf32>, vector<2048x32xf32> -> vector<2048x32xf32>
    %get3A_12 = arith.constant 0 : index
    %get3A_13 = arith.constant 0 : index
    %get3A_14 = vector.load %arg3[%get3A_12, %get3A_13] : memref<32x2048xf32, #tpu.memory_space<vmem>>, vector<32x2048xf32>
    %dot_general3A_15 = arith.constant dense<0.000000e+00> : vector<2048x32xf32>
    %dot_general3A_16 = tpu.matmul %get3A_14, %convert_element_type3A_3, %dot_general3A_15 {dimension_numbers = #tpu.dot_dimension_numbers<[0], [0], [1], [1], [0, 1, 1, 1], [], []>, transpose_lhs_hint = false} : vector<32x2048xf32>, vector<32x32xf32>, vector<2048x32xf32> -> vector<2048x32xf32>
    %get3A_17 = arith.constant 0 : index
    %get3A_18 = arith.constant 0 : index
    %get3A_19 = vector.load %arg4[%get3A_17, %get3A_18] : memref<32x2048xf32, #tpu.memory_space<vmem>>, vector<32x2048xf32>
    %dot_general3A_20 = arith.constant dense<0.000000e+00> : vector<2048x32xf32>
    %dot_general3A_21 = tpu.matmul %get3A_19, %convert_element_type3A_3, %dot_general3A_20 {dimension_numbers = #tpu.dot_dimension_numbers<[0], [0], [1], [1], [0, 1, 1, 1], [], []>, transpose_lhs_hint = false} : vector<32x2048xf32>, vector<32x32xf32>, vector<2048x32xf32> -> vector<2048x32xf32>
    %concatenate3A = tpu.concatenate %dot_general3A_6, %dot_general3A_11, %dot_general3A_16, %dot_general3A_21 in 1 : vector<2048x32xf32>, vector<2048x32xf32>, vector<2048x32xf32>, vector<2048x32xf32> -> vector<2048x128xf32>
    %swap3A = arith.constant 0 : index
    %swap3A_22 = arith.constant 0 : index
    %swap3A_23 = vector.load %arg5[%swap3A, %swap3A_22] : memref<2048x128xf32, #tpu.memory_space<vmem>>, vector<2048x128xf32>
    tpu.vector_store %arg5[%swap3A, %swap3A_22], %concatenate3A {strides = array<i32>} : memref<2048x128xf32, #tpu.memory_space<vmem>>, vector<2048x128xf32>,
    return
  }
  func.func @transform_0(%arg0: i32) -> (i32, i32) {
    %mul3A = arith.constant 4 : i32
    %mul3A_0 = arith.muli %arg0, %mul3A : i32
    %add3A = arith.constant 0 : i32
    %add3A_1 = arith.addi %mul3A_0, %add3A : i32
    %min3A = arith.constant 488 : i32
    %min3A_2 = arith.minsi %add3A_1, %min3A : i32
    %c0_i32 = arith.constant 0 : i32
    %c0_i32_3 = arith.constant 0 : i32
    return %c0_i32, %min3A_2 : i32, i32
  }
  func.func @transform_1(%arg0: i32) -> (i32, i32) {
    %mul3A = arith.constant 4 : i32
    %mul3A_0 = arith.muli %arg0, %mul3A : i32
    %add3A = arith.constant 1 : i32
    %add3A_1 = arith.addi %mul3A_0, %add3A : i32
    %min3A = arith.constant 488 : i32
    %min3A_2 = arith.minsi %add3A_1, %min3A : i32
    %c0_i32 = arith.constant 0 : i32
    %c0_i32_3 = arith.constant 0 : i32
    return %c0_i32, %min3A_2 : i32, i32
  }
  func.func @transform_2(%arg0: i32) -> (i32, i32) {
    %mul3A = arith.constant 4 : i32
    %mul3A_0 = arith.muli %arg0, %mul3A : i32
    %add3A = arith.constant 2 : i32
    %add3A_1 = arith.addi %mul3A_0, %add3A : i32
    %min3A = arith.constant 488 : i32
    %min3A_2 = arith.minsi %add3A_1, %min3A : i32
    %c0_i32 = arith.constant 0 : i32
    %c0_i32_3 = arith.constant 0 : i32
    return %c0_i32, %min3A_2 : i32, i32
  }
  func.func @transform_3(%arg0: i32) -> (i32, i32) {
    %mul3A = arith.constant 4 : i32
    %mul3A_0 = arith.muli %arg0, %mul3A : i32
    %add3A = arith.constant 3 : i32
    %add3A_1 = arith.addi %mul3A_0, %add3A : i32
    %min3A = arith.constant 488 : i32
    %min3A_2 = arith.minsi %add3A_1, %min3A : i32
    %c0_i32 = arith.constant 0 : i32
    %c0_i32_3 = arith.constant 0 : i32
    return %c0_i32, %min3A_2 : i32, i32
  }
  func.func @transform_4(%arg0: i32) -> (i32, i32) {
    %c0_i32 = arith.constant 0 : i32
    %c0_i32_0 = arith.constant 0 : i32
    return %arg0, %c0_i32 : i32, i32
  }
}

</mosaic_0001>

<sc_bundles>
// kernel: kernel.4.cloned.1.call-start
scs
__scs_entry_jumppad:
0x0: {  	(pc) =	sbr.rel $0x88, $3  }
0x1: {  	(tag) =	ssettag $0x0;
	lr =	simm.s32 $0x1  }
0x2: {  	[smem:$0x3F9F] =	sst lr;
	_ =	strace $0xD0000000  }
0x3: {  	_ = 	snop  }
0x4: {  	_ = 	snop  }
0x5: {  	_ = 	snop  }
0x6: {  	_ = 	snop  }
0x7: {  	_ = 	snop  }
__scs_overlays_trampoline_lowered:
0x8: {  	[smem:$0x3FAE] =	sst s0  }
0x9: {  	[smem:$0x3FAF] =	sst s1  }
0xa: {  	[smem:$0x3FB0] =	sst s2  }
0xb: {  	[smem:$0x3FB1] =	sst s3  }
0xc: {  	[smem:$0x3FB2] =	sst s4  }
0xd: {  	[smem:$0x3FB3] =	sst s5  }
0xe: {  	[smem:$0x3FB4] =	sst s6  }
0xf: {  	[smem:$0x3FB5] =	sst s7  }
0x10: {  	[smem:$0x3FB6] =	sst s8  }
0x11: {  	[smem:$0x3FB7] =	sst s9;
	s0 =	simm.s32 @!p0 $0x0  }
0x12: {  	s1 =	sld [smem:$0x3F9D];
	s0 =	simm.s32 @p0 $0x1  }
0x13: {  	[smem:$0x3FB8] =	sst s0;
	s0 =	simm.s32 @!p1 $0x0  }
0x14: {  	s2 =	sld [smem:$0x3F9C];
	s0 =	simm.s32 @p1 $0x1  }
0x15: {  	[smem:$0x3FB9] =	sst s0;
	s0 =	simm.s32 @!p2 $0x0  }
0x16: {  	s3 =	sld [smem:$0x3FDB];
	s0 =	simm.s32 @p2 $0x1  }
0x17: {  	s4 =	simm.s32 $0x1BF5;
	[smem:$0x3FBB] =	sst s0  }
0x18: {  	s0 =	sld [smem:$0x3F9E];
	_ =	swait.ge [sflag:s4], $0x0  }
0x19: {  	s7 =	sld [smem:$0x3F9F]  }
0x1a: {  	s8 =	sadd.s32 $0xFFFFE003, lr  }
0x1b: {  	s9 =	sadd.s32 $0xFFFFFEF7, lr;
	s5 =	simm.s32 $0xFFFFFFFF;
	p2 =	slt.u32 s8, $0xFFFFF086  }
0x1c: {  	p1 =	slt.u32 s9, $0xF7A;
	s5 =	simm.s32 @!p2 $0x0  }
0x1d: {  	s5 =	simm.s32 @p1 $0x1;
	p0 =	seq.s32 s7, s2  }
0x1e: {  	s7 =	smul.u32 @!p0 $0xF7A, s2;
	p2 =	seq.s32 @!p0 s5, $0x0  }
0x1f: {  	s9 =	smul.u32 $0xF7A, s1;
	s8 =	simm.s32 @!p0 $0x1BF5;
	p2 =	por !p2, p0  }
0x20: {  	[sflag:s8] =	ssyncset.s32 @!p0 $0xFFFFF086;
	s6 =	sadd.s32 @!p0 s3, s7;
	s7 =	simm.s32 @!p0 $0x108  }
0x21: {  	s3 =	sadd.s32 s3, s9;
	s6 =	sadd.s32 @!p0 $0x88, s6;
	s7 =	simm.s32 @p2 $0x1082  }
0x22: {  	[simem:s7], [sflag:s8] =	dma.local @!p0 [hbm:s6], $0xF7A  }
0x23: {  	s9 =	sor.u32 $0xD0000000, s2;
	s6 =	simm.s32 $0x108;
	_ =	swait.ge @!p0 [sflag:s8], $0x0  }
0x24: {  	s3 =	sadd.s32 $0x88, s3;
	s6 =	simm.s32 @!p1 $0x1082;
	[sflag:s4] =	ssyncset.s32 $0xFFFFF086  }
0x25: {  	[simem:s6], [sflag:s4] =	dma.local [hbm:s3], $0xF7A  }
0x26: {  	[smem:$0x3F9F] =	sst s1;
	(tag) =	ssettag s2;
	_ =	strace s9  }
0x27: {  	s1 =	sld [smem:$0x3FAF]  }
0x28: {  	s2 =	sld [smem:$0x3FB0]  }
0x29: {  	s4 =	sld [smem:$0x3FB2]  }
0x2a: {  	p0 =	seq.s32 s5, $0x0;
	s5 =	sld [smem:$0x3FB3]  }
0x2b: {  	s6 =	sld [smem:$0x3FB4]  }
0x2c: {  	s7 =	sld [smem:$0x3FB5]  }
0x2d: {  	s3 =	simm.s32 $0x108;
	s8 =	sld [smem:$0x3FB6]  }
0x2e: {  	s3 =	simm.s32 @!p0 $0x1082;
	s9 =	sld [smem:$0x3FB7]  }
0x2f: {  	lr =	sadd.s32 s0, s3;
	s0 =	sld [smem:$0x3FAE]  }
0x30: {  	s3 =	sld [smem:$0x3FB1]  }
0x31: {  	[smem:$0x3FBA] =	sst s10  }
0x32: {  	s10 =	sld [smem:$0x3FB8];
	_ =	sdelay $0x3  }
0x33: {  	p0 =	seq.s32 s10, $0x1;
	s10 =	sld [smem:$0x3FBA];
	_ =	sdelay $0x3  }
0x34: {  	[smem:$0x3FBA] =	sst s10  }
0x35: {  	s10 =	sld [smem:$0x3FB9];
	_ =	sdelay $0x3  }
0x36: {  	p1 =	seq.s32 s10, $0x1;
	s10 =	sld [smem:$0x3FBA];
	_ =	sdelay $0x3  }
0x37: {  	[smem:$0x3FBA] =	sst s10  }
0x38: {  	s10 =	sld [smem:$0x3FBB]  }
0x39: {  	_ = 	snop;
	(pc) =	sbr.ind lr, $3  }
0x3a: {  	_ = 	snop  }
0x3b: {  	_ = 	snop  }
0x3c: {  	p2 =	seq.s32 s10, $0x1;
	s10 =	sld [smem:$0x3FBA]  }
0x3d: {  	_ =	shalt  }
0x3e: {  	_ =	shalt  }
0x3f: {  	_ =	shalt  }
0x40: {  	_ =	shalt  }
0x41: {  	_ =	shalt  }
0x42: {  	_ =	shalt  }
0x43: {  	_ =	shalt  }
0x44: {  	_ =	shalt  }
0x45: {  	_ =	shalt  }
0x46: {  	_ =	shalt  }
0x47: {  	_ =	shalt  }
0x48: {  	_ =	shalt  }
0x49: {  	_ =	shalt  }
0x4a: {  	_ =	shalt  }
0x4b: {  	_ =	shalt  }
0x4c: {  	_ =	shalt  }
0x4d: {  	_ =	shalt  }
0x4e: {  	_ =	shalt  }
0x4f: {  	_ =	shalt  }
0x50: {  	_ =	shalt  }
0x51: {  	_ =	shalt  }
0x52: {  	_ =	shalt  }
0x53: {  	_ =	shalt  }
0x54: {  	_ =	shalt  }
0x55: {  	_ =	shalt  }
0x56: {  	_ =	shalt  }
0x57: {  	_ =	shalt  }
0x58: {  	_ =	shalt  }
0x59: {  	_ =	shalt  }
0x5a: {  	_ =	shalt  }
0x5b: {  	_ =	shalt  }
0x5c: {  	_ =	shalt  }
0x5d: {  	_ =	shalt  }
0x5e: {  	_ =	shalt  }
0x5f: {  	_ =	shalt  }
0x60: {  	_ =	shalt  }
0x61: {  	_ =	shalt  }
0x62: {  	_ =	shalt  }
0x63: {  	_ =	shalt  }
0x64: {  	_ =	shalt  }
0x65: {  	_ =	shalt  }
0x66: {  	_ =	shalt  }
0x67: {  	_ =	shalt  }
0x68: {  	_ =	shalt  }
0x69: {  	_ =	shalt  }
0x6a: {  	_ =	shalt  }
0x6b: {  	_ =	shalt  }
0x6c: {  	_ =	shalt  }
0x6d: {  	_ =	shalt  }
0x6e: {  	_ =	shalt  }
0x6f: {  	_ =	shalt  }
0x70: {  	_ =	shalt  }
0x71: {  	_ =	shalt  }
0x72: {  	_ =	shalt  }
0x73: {  	_ =	shalt  }
0x74: {  	_ =	shalt  }
0x75: {  	_ =	shalt  }
0x76: {  	_ =	shalt  }
0x77: {  	_ =	shalt  }
0x78: {  	_ =	shalt  }
0x79: {  	_ =	shalt  }
0x7a: {  	_ =	shalt  }
0x7b: {  	_ =	shalt  }
0x7c: {  	_ =	shalt  }
0x7d: {  	_ =	shalt  }
0x7e: {  	_ =	shalt  }
0x7f: {  	_ =	shalt  }
0x80: {  	_ =	shalt  }
0x81: {  	_ =	shalt  }
0x82: {  	_ =	shalt  }
0x83: {  	_ =	shalt  }
0x84: {  	_ =	shalt  }
0x85: {  	_ =	shalt  }
0x86: {  	_ =	shalt  }
0x87: {  	_ =	shalt  }
.Lfunc_end0:
.L_simem_size_0:
called_computation.1_lowered:
.L_overlay_start_0:
0x88: {  	s2 =	sld [smem:$0x3FD9]  }
0x89: {  	s3 =	sld [smem:$0x3FFE];
	_ =	sdelay $0x1  }
0x8a: {  	s1 =	srdreg.scid  }
0x8b: {  	s0 =	sand.u32 $0x1, s1  }
0x8c: {  	s17 =	sshll.u32 s0, $0xA;
	s2 =	sadd.s32 s3, s2  }
0x8d: {  	s2 =	sadd.s32 s2, s17  }
0x8e: {  	[smem:$0x3FC6] =	sst s2  }
0x8f: {  	_ = 	snop  }
0x90: {  	s2 =	sld [smem:$0x3FD0];
	(tm) =	ssettm $0x1  }
0x91: {  	s18 =	sld [smem:$0x3FFB];
	_ =	sdelay $0x3  }
0x92: {  	_ =	strace s18  }
0x93: {  	s3 =	sld [smem:$0x3FFC];
	_ =	sdelay $0x3  }
0x94: {  	_ =	strace s3  }
0x95: {  	s3 =	sld [smem:$0x3FFD];
	_ =	sdelay $0x3  }
0x96: {  	_ =	strace s3  }
0x97: {  	_ =	strace $0x8FFFFFFF  }
0x98: {  	s19 =	sld [smem:$0x3FDB];
	_ =	sdelay $0x1  }
0x99: {  	s4 =	simm.s32 $_scs_section_size  }
0x9a: {  	s5 =	simm.s32 $_size__tile_overlayer_lowered;
	s6 =	simm.s32 $_tile_overlayer_lowered  }
0x9b: {  	s22 =	simm.s32 $0x1BFF;
	s21 =	sshll.u32 s6, $0x1;
	s3 =	sadd.s32 s4, s19  }
0x9c: {  	s7 =	simm.s32 $0x0;
	s20 =	sshll.u32 s5, $0x1;
	s5 =	sadd.s32 s21, s3  }
0x9d: {  	[timem:s7], [sflag:s22] =	dma.local [hbm:s5], s20  }
0x9e: {  	_ =	swait.ge [sflag:s22], s20  }
0x9f: {  	s4 =	ssub.s32 $0x0, s20;
	[sflag:s22] =	ssyncset.done $0x0  }
0xa0: {  	[sflag:s22] =	ssyncadd.s32 s4;
	_ =	sdelay $0x1  }
0xa1: {  	s23 =	simm.s32 $0x1B8B  }
0xa2: {  	_ =	swait.ge [sflag:s23], $0x1  }
0xa3: {  	[sflag:s23] =	ssyncset.done $0x0  }
0xa4: {  	s25 =	simm.s32 $0x1B8E;
	s24 =	sld [smem:$0x3FFE];
	[sflag:s23] =	ssyncadd.s32 $0xFFFFFFFF  }
0xa5: {  	s26 =	simm.s32 $execute0_lowered;
	[smem:$0x3FD2] =	sst s25  }
0xa6: {  	s5 =	sshll.u32 s26, $0x1;
	_ =	strace $0x80000046;
	[dreg:$0x1] =	wrdreg $0xFFFFFFFF  }
0xa7: {  	s28 =	simm.s32 $_size_execute0_lowered;
	s3 =	sadd.s32 s3, s5;
	[dreg:$0x0] =	wrdreg $0x0  }
0xa8: {  	s5 =	sshll.u32 s28, $0x1;
	[dreg:$0x2] =	wrdreg s3  }
0xa9: {  	[dreg:$0x3] =	wrdreg s5  }
0xaa: {  	[dreg:$0x4] =	wrdreg $0xC0  }
0xab: {  	_ =	task [dreg:s7], $0x5FFFF  }
0xac: {  	[dreg:$0x1] =	wrdreg $0xFFFFFFFF  }
0xad: {  	[dreg:$0x0] =	wrdreg $0x60  }
0xae: {  	[dreg:$0x2] =	wrdreg s2  }
0xaf: {  	[dreg:$0x3] =	wrdreg s24  }
0xb0: {  	[dreg:$0x4] =	wrdreg $0x9  }
0xb1: {  	_ =	task.clear_ibuf [dreg:s7], $0x5FFFF;
	_ =	strace $0x90000046  }
0xb2: {  	s29 =	simm.s32 $0x9;
	_ =	strace $0x80000048  }
0xb3: {  	_ =	swait.ge [sflag:s29], $0x1  }
0xb4: {  	[sflag:s29] =	ssyncadd.s32 $0xFFFFFFFF  }
0xb5: {  	_ =	strace $0x90000048  }
0xb6: {  	_ =	sfence  }
0xb7: {  	s30 =	sld [smem:$0x0];
	_ =	sdelay $0x2  }
0xb8: {  	s31 =	sshll.u32 s1, $0xD;
	s1 =	sshrl.u32 s1, $0x2  }
0xb9: {  	s3 =	sand.u32 $0x4000, s31;
	s1 =	sadd.s32 s1, s30  }
0xba: {  	s0 =	sor.u32 s3, s0;
	s1 =	sshll.u32 s1, $0x11  }
0xbb: {  	s0 =	sor.u32 s1, s0  }
0xbc: {  	s0 =	sadd.s32 $0x8F2B, s0  }
0xbd: {  	[sflag:s0] =	ssyncadd.remote.s32 $0x1  }
0xbe: {  	_ =	sfence.sel $0xFFFF  }
0xbf: {  	[dreg:$0x0] =	wrdreg $0xFFFFFFFF;
	(pc) =	sbr.abs _section_cstart, $3  }
0xc0: {  	[dreg:$0x1] =	wrdreg $0xFFFFFFFF  }
0xc1: {  	_ =	task.clear_ibuf [dreg:s7], $0x2FFFF;
	_ =	strace $0x9FFFFFFF  }
0xc2: {  	(tm) =	ssettm $0x7FFFFFFF  }
0xc3: {  	_ =	shalt  }
tec
execute0_lowered:
.L_overlay_start_1:
0x0: {  	(tag) =	ssettag $0x1  }
0x1: {  	s0 =	rddreg [dreg:$0x0]  }
0x2: {  	s1 =	rddreg [dreg:$0x1]  }
0x3: {  	s2 =	simm.s32 $0x0;
	s3 =	srdreg.scid;
	s4 =	stileid.u32  }
0x4: {  	s9 =	simm.s32 $0x6800;
	s10 =	simm.s32 $0xE800;
	s11 =	simm.s32 $0x1  }
0x5: {  	s13 =	simm.s32 $0x2;
	s22 =	simm.s32 $0x1800;
	s23 =	simm.s32 $0x4800  }
0x6: {  	s24 =	simm.s32 $0x1C00;
	s25 =	simm.s32 $0x4C00;
	s28 =	simm.s32 $0x5000  }
0x7: {  	s29 =	simm.s32 $0x2400;
	s30 =	simm.s32 $0x5400;
	s31 =	simm.s32 $0x2800  }
0x8: {  	s12 =	simm.s32 $0x5C00;
	s14 =	simm.s32 $0x3000;
	s16 =	simm.s32 $0x6400  }
0x9: {  	s17 =	simm.s32 $0x0;
	[smem:$0x7FF] =	sst s2;
	s3 =	sand.u32 $0x1, s3  }
0xa: {  	s4 =	sshll.u32 s4, $0x1;
	_ =	strace $0x80000047;
	s5 =	ssub.s32 $0x2, s3  }
0xb: {  	s6 =	sor.u32 s3, s4;
	s3 =	sadd.s32 $0x800, s1;
	s4 =	sadd.s32 $0x3D8800, s1  }
0xc: {  	s1 =	simm.s32 $0x2C00;
	s7 =	sshrl.u32 s5, $0x1;
	s8 =	smul.u32 $0x680, s6  }
0xd: {  	s15 =	sshll.u32 s6, $0x9;
	s26 =	ssub.s32 s5, s7;
	s7 =	simm.s32 $0x3  }
0xe: {  	v0 =	vmov s15;
	s15 =	simm.s32 $0x6000;
	s5 =	sadd.s32 s0, s8;
	s6 =	smax.u32 s26, $0x1  }
0xf: {  	v1 =	vlaneseq.u32;
	s8 =	simm.s32 $0x400;
	s26 =	simm.s32 $0x2000;
	s0 =	simm.s32 $0x5800  }
.LBB2_1:
0x10: {  	[tilespmem:s2], [sflag:$0x3] =	stream.linear.gather [hbm4b:s5+s2], $0x3400, $0x38;
	[tilespmem:$0x16800] =	vst v63  }
0x11: {  	_ =	swait.ge [sflag:s7], $0x3400  }
0x12: {  	[sflag:s7] =	ssyncset.done $0x0  }
0x13: {  	[sflag:s7] =	ssyncadd.s32 $0xFFFFCC00  }
0x14: {  	v3 =	vld [tilespmem:s2+$0x0]  }
0x15: {  	v2 =	vor.u32 s2, v1;
	s20 =	simm.s32 $0x10;
	s19 =	simm.s32 $0x0;
	s18 =	simm.s32 $0x0  }
.LBB2_2:
0x16: {  	p0 =	sne.s32 s20, $0x33F0;
	v4 =	vmul.u32 $0x13B14, v2;
	_ =	sdelay $0x1  }
0x17: {  	v4 =	vshrl.u32 v4, $0x15  }
0x18: {  	v5 =	vshll.u32 v3, $0x2;
	v6 =	vmul.u32 $0x3FFFFFE6, v4;
	v4 =	vadd.s32 v0, v4  }
0x19: {  	v7 =	vshrl.u32 v3, $0xB;
	v3 =	vand.u32 $0xFFFFE000, v3;
	v5 =	vand.u32 $0x1FFC, v5  }
0x1a: {  	v3 =	vor.u32 v3, v5;
	v5 =	vand.u32 $0x3, v7;
	v2 =	vadd.s32 v2, v6  }
.Ltmp0:
0x1b: {  	v4 =	vshll.u32 v4, $0x7;
	v3 =	vor.u32 v5, v3;
	v2 =	vshll.u32 v2, $0x2;
	(pc) =	sbr.rel @p0 .LBB2_2-.Ltmp0, $4  }
0x1c: {  	s21 =	sand.u32 $0x3FF0, s18;
	s18 =	smov.u32 s20;
	[tilespmem:s19+$0x0] =	vst v3;
	v2 =	vadd.s32 v4, v2  }
0x1d: {  	s19 =	sadd.s32 $0x10, s19;
	[tilespmem:s21+$0x3400] =	vst v2  }
0x1e: {  	v3 =	vld [tilespmem:s19+$0x0]  }
0x1f: {  	s20 =	sadd.s32 $0x10, s20;
	v2 =	vor.u32 s18, v1  }
0x20: {  	v4 =	vmul.u32 $0x13B14, v2;
	_ =	sdelay $0x1  }
0x21: {  	v4 =	vshrl.u32 v4, $0x15  }
0x22: {  	v5 =	vshll.u32 v3, $0x2;
	v6 =	vmul.u32 $0x3FFFFFE6, v4;
	v4 =	vadd.s32 v0, v4  }
0x23: {  	v7 =	vshrl.u32 v3, $0xB;
	v3 =	vand.u32 $0xFFFFE000, v3;
	v5 =	vand.u32 $0x1FFC, v5  }
0x24: {  	v63 =	vand.u32 $0x3, v7;
	v3 =	vor.u32 v3, v5;
	v2 =	vadd.s32 v2, v6  }
0x25: {  	v4 =	vshll.u32 v4, $0x7;
	v3 =	vor.u32 v63, v3;
	v2 =	vshll.u32 v2, $0x2  }
0x26: {  	s18 =	sand.u32 $0x3FF0, s18;
	[tilespmem:s19+$0x0] =	vst v3;
	v2 =	vadd.s32 v4, v2  }
0x27: {  	[tilespmem:s18+$0x3400] =	vst v2  }
0x28: {  	[tilespmem:s9], [sflag:$0x1] =	stream.indirect.gather [hbm4b:s3+s8], $0x20, s2, s8, $0xb8;
	[tilespmem:$0x16800] =	vst v63  }
0x29: {  	_ = 	snop  }
0x2a: {  	[tilespmem:s10], [sflag:$0x1] =	stream.indirect.gather [hbm4b:s3+s8], $0x20, s8, s8, $0xb8;
	[tilespmem:$0x16800] =	vst v63  }
0x2b: {  	_ =	swait.ge [sflag:s11], $0x8000  }
0x2c: {  	[sflag:s11] =	ssyncset.done $0x0  }
0x2d: {  	s19 =	simm.s32 $0x3400;
	[sflag:s11] =	ssyncadd.s32 $0xFFFF8000  }
0x2e: {  	[hbm4b:s4+s8] =	stream.indirect.scatter [tilespmem:s9], [sflag:$0x2], $0x20, s19, s8, $0xb8;
	[tilespmem:$0x16800] =	vst v63  }
0x2f: {  	_ =	swait.ge [sflag:s13], $0x8000  }
0x30: {  	[sflag:s13] =	ssyncset.done $0x0  }
0x31: {  	s20 =	simm.s32 $0x800;
	[sflag:s13] =	ssyncadd.s32 $0xFFFF8000  }
0x32: {  	[tilespmem:s9], [sflag:$0x1] =	stream.indirect.gather [hbm4b:s3+s8], $0x20, s20, s8, $0xb8;
	[tilespmem:$0x16800] =	vst v63  }
0x33: {  	_ =	swait.ge [sflag:s11], $0x8000  }
0x34: {  	[sflag:s11] =	ssyncset.done $0x0  }
0x35: {  	s21 =	simm.s32 $0x3800;
	[sflag:s11] =	ssyncadd.s32 $0xFFFF8000  }
0x36: {  	[hbm4b:s4+s8] =	stream.indirect.scatter [tilespmem:s10], [sflag:$0x2], $0x20, s21, s8, $0xb8;
	[tilespmem:$0x16800] =	vst v63  }
0x37: {  	_ =	swait.ge [sflag:s13], $0x8000  }
0x38: {  	[sflag:s13] =	ssyncset.done $0x0  }
0x39: {  	s19 =	simm.s32 $0xC00;
	[sflag:s13] =	ssyncadd.s32 $0xFFFF8000  }
0x3a: {  	[tilespmem:s10], [sflag:$0x1] =	stream.indirect.gather [hbm4b:s3+s8], $0x20, s19, s8, $0xb8;
	[tilespmem:$0x16800] =	vst v63  }
0x3b: {  	_ =	swait.ge [sflag:s11], $0x8000  }
0x3c: {  	[sflag:s11] =	ssyncset.done $0x0  }
0x3d: {  	s20 =	simm.s32 $0x3C00;
	[sflag:s11] =	ssyncadd.s32 $0xFFFF8000  }
0x3e: {  	[hbm4b:s4+s8] =	stream.indirect.scatter [tilespmem:s9], [sflag:$0x2], $0x20, s20, s8, $0xb8;
	[tilespmem:$0x16800] =	vst v63  }
0x3f: {  	_ =	swait.ge [sflag:s13], $0x8000  }
0x40: {  	[sflag:s13] =	ssyncset.done $0x0  }
0x41: {  	s21 =	simm.s32 $0x1000;
	[sflag:s13] =	ssyncadd.s32 $0xFFFF8000  }
0x42: {  	[tilespmem:s9], [sflag:$0x1] =	stream.indirect.gather [hbm4b:s3+s8], $0x20, s21, s8, $0xb8;
	[tilespmem:$0x16800] =	vst v63  }
0x43: {  	_ =	swait.ge [sflag:s11], $0x8000  }
0x44: {  	[sflag:s11] =	ssyncset.done $0x0  }
0x45: {  	s19 =	simm.s32 $0x4000;
	[sflag:s11] =	ssyncadd.s32 $0xFFFF8000  }
0x46: {  	[hbm4b:s4+s8] =	stream.indirect.scatter [tilespmem:s10], [sflag:$0x2], $0x20, s19, s8, $0xb8;
	[tilespmem:$0x16800] =	vst v63  }
0x47: {  	_ =	swait.ge [sflag:s13], $0x8000  }
0x48: {  	[sflag:s13] =	ssyncset.done $0x0  }
0x49: {  	s20 =	simm.s32 $0x1400;
	[sflag:s13] =	ssyncadd.s32 $0xFFFF8000  }
0x4a: {  	[tilespmem:s10], [sflag:$0x1] =	stream.indirect.gather [hbm4b:s3+s8], $0x20, s20, s8, $0xb8;
	[tilespmem:$0x16800] =	vst v63  }
0x4b: {  	_ =	swait.ge [sflag:s11], $0x8000  }
0x4c: {  	[sflag:s11] =	ssyncset.done $0x0  }
0x4d: {  	s21 =	simm.s32 $0x4400;
	[sflag:s11] =	ssyncadd.s32 $0xFFFF8000  }
0x4e: {  	[hbm4b:s4+s8] =	stream.indirect.scatter [tilespmem:s9], [sflag:$0x2], $0x20, s21, s8, $0xb8;
	[tilespmem:$0x16800] =	vst v63  }
0x4f: {  	_ =	swait.ge [sflag:s13], $0x8000  }
0x50: {  	[sflag:s13] =	ssyncset.done $0x0  }
0x51: {  	[sflag:s13] =	ssyncadd.s32 $0xFFFF8000  }
0x52: {  	[tilespmem:s9], [sflag:$0x1] =	stream.indirect.gather [hbm4b:s3+s8], $0x20, s22, s8, $0xb8;
	[tilespmem:$0x16800] =	vst v63  }
0x53: {  	_ =	swait.ge [sflag:s11], $0x8000  }
0x54: {  	[sflag:s11] =	ssyncset.done $0x0  }
0x55: {  	[sflag:s11] =	ssyncadd.s32 $0xFFFF8000  }
0x56: {  	[hbm4b:s4+s8] =	stream.indirect.scatter [tilespmem:s10], [sflag:$0x2], $0x20, s23, s8, $0xb8;
	[tilespmem:$0x16800] =	vst v63  }
0x57: {  	_ =	swait.ge [sflag:s13], $0x8000  }
0x58: {  	[sflag:s13] =	ssyncset.done $0x0  }
0x59: {  	[sflag:s13] =	ssyncadd.s32 $0xFFFF8000  }
0x5a: {  	[tilespmem:s10], [sflag:$0x1] =	stream.indirect.gather [hbm4b:s3+s8], $0x20, s24, s8, $0xb8;
	[tilespmem:$0x16800] =	vst v63  }
0x5b: {  	_ =	swait.ge [sflag:s11], $0x8000  }
0x5c: {  	[sflag:s11] =	ssyncset.done $0x0  }
0x5d: {  	[sflag:s11] =	ssyncadd.s32 $0xFFFF8000  }
0x5e: {  	[hbm4b:s4+s8] =	stream.indirect.scatter [tilespmem:s9], [sflag:$0x2], $0x20, s25, s8, $0xb8;
	[tilespmem:$0x16800] =	vst v63  }
0x5f: {  	_ =	swait.ge [sflag:s13], $0x8000  }
0x60: {  	[sflag:s13] =	ssyncset.done $0x0  }
0x61: {  	[sflag:s13] =	ssyncadd.s32 $0xFFFF8000  }
0x62: {  	[tilespmem:s9], [sflag:$0x1] =	stream.indirect.gather [hbm4b:s3+s8], $0x20, s26, s8, $0xb8;
	[tilespmem:$0x16800] =	vst v63  }
0x63: {  	_ =	swait.ge [sflag:s11], $0x8000  }
0x64: {  	[sflag:s11] =	ssyncset.done $0x0  }
0x65: {  	[sflag:s11] =	ssyncadd.s32 $0xFFFF8000  }
0x66: {  	[hbm4b:s4+s8] =	stream.indirect.scatter [tilespmem:s10], [sflag:$0x2], $0x20, s28, s8, $0xb8;
	[tilespmem:$0x16800] =	vst v63  }
0x67: {  	_ =	swait.ge [sflag:s13], $0x8000  }
0x68: {  	[sflag:s13] =	ssyncset.done $0x0  }
0x69: {  	[sflag:s13] =	ssyncadd.s32 $0xFFFF8000  }
0x6a: {  	[tilespmem:s10], [sflag:$0x1] =	stream.indirect.gather [hbm4b:s3+s8], $0x20, s29, s8, $0xb8;
	[tilespmem:$0x16800] =	vst v63  }
0x6b: {  	_ =	swait.ge [sflag:s11], $0x8000  }
0x6c: {  	[sflag:s11] =	ssyncset.done $0x0  }
0x6d: {  	[sflag:s11] =	ssyncadd.s32 $0xFFFF8000  }
0x6e: {  	[hbm4b:s4+s8] =	stream.indirect.scatter [tilespmem:s9], [sflag:$0x2], $0x20, s30, s8, $0xb8;
	[tilespmem:$0x16800] =	vst v63  }
0x6f: {  	_ =	swait.ge [sflag:s13], $0x8000  }
0x70: {  	[sflag:s13] =	ssyncset.done $0x0  }
0x71: {  	[sflag:s13] =	ssyncadd.s32 $0xFFFF8000  }
0x72: {  	[tilespmem:s9], [sflag:$0x1] =	stream.indirect.gather [hbm4b:s3+s8], $0x20, s31, s8, $0xb8;
	[tilespmem:$0x16800] =	vst v63  }
0x73: {  	_ =	swait.ge [sflag:s11], $0x8000  }
0x74: {  	[sflag:s11] =	ssyncset.done $0x0  }
0x75: {  	[sflag:s11] =	ssyncadd.s32 $0xFFFF8000  }
0x76: {  	[hbm4b:s4+s8] =	stream.indirect.scatter [tilespmem:s10], [sflag:$0x2], $0x20, s0, s8, $0xb8;
	[tilespmem:$0x16800] =	vst v63  }
0x77: {  	_ =	swait.ge [sflag:s13], $0x8000  }
0x78: {  	[sflag:s13] =	ssyncset.done $0x0  }
0x79: {  	[sflag:s13] =	ssyncadd.s32 $0xFFFF8000  }
0x7a: {  	[tilespmem:s10], [sflag:$0x1] =	stream.indirect.gather [hbm4b:s3+s8], $0x20, s1, s8, $0xb8;
	[tilespmem:$0x16800] =	vst v63  }
0x7b: {  	_ =	swait.ge [sflag:s11], $0x8000  }
0x7c: {  	[sflag:s11] =	ssyncset.done $0x0  }
0x7d: {  	[sflag:s11] =	ssyncadd.s32 $0xFFFF8000  }
0x7e: {  	[hbm4b:s4+s8] =	stream.indirect.scatter [tilespmem:s9], [sflag:$0x2], $0x20, s12, s8, $0xb8;
	[tilespmem:$0x16800] =	vst v63  }
0x7f: {  	_ =	swait.ge [sflag:s13], $0x8000  }
0x80: {  	[sflag:s13] =	ssyncset.done $0x0  }
0x81: {  	[sflag:s13] =	ssyncadd.s32 $0xFFFF8000  }
0x82: {  	[tilespmem:s9], [sflag:$0x1] =	stream.indirect.gather [hbm4b:s3+s8], $0x20, s14, s8, $0xb8;
	[tilespmem:$0x16800] =	vst v63  }
0x83: {  	_ =	swait.ge [sflag:s11], $0x8000  }
0x84: {  	[sflag:s11] =	ssyncset.done $0x0  }
0x85: {  	[sflag:s11] =	ssyncadd.s32 $0xFFFF8000  }
0x86: {  	[hbm4b:s4+s8] =	stream.indirect.scatter [tilespmem:s10], [sflag:$0x2], $0x20, s15, s8, $0xb8;
	[tilespmem:$0x16800] =	vst v63  }
0x87: {  	_ =	swait.ge [sflag:s11], $0x8000  }
0x88: {  	[sflag:s11] =	ssyncset.done $0x0  }
0x89: {  	s17 =	sadd.s32 $0x1, s17;
	[sflag:s11] =	ssyncadd.s32 $0xFFFF8000  }
0x8a: {  	[hbm4b:s4+s8] =	stream.indirect.scatter [tilespmem:s9], [sflag:$0x2], $0x20, s16, s8, $0xb8;
	[tilespmem:$0x16800] =	vst v63  }
0x8b: {  	p0 =	sne.s32 s17, s6;
	_ =	swait.ge [sflag:s13], $0x8000  }
.Ltmp1:
0x8c: {  	[sflag:s13] =	ssyncset.done $0x0;
	(pc) =	sbr.rel @p0 .LBB2_1-.Ltmp1, $4  }
0x8d: {  	[sflag:s13] =	ssyncadd.s32 $0xFFFF8000  }
0x8e: {  	_ =	swait.ge [sflag:s13], $0x8000  }
0x8f: {  	[sflag:s13] =	ssyncset.done $0x0  }
0x90: {  	[sflag:s13] =	ssyncadd.s32 $0xFFFF8000  }
0x91: {  	_ =	sfence.sel $0x180000  }
0x92: {  	[bflag:$0x0] =	sbarrier.arrive $0xFFFF  }
0x93: {  	_ =	strace $0x90000047  }
0x94: {  	s0 =	stileid.u32;
	[bflag:$0x2] =	sbarrier.arrive $0xFFFF  }
0x95: {  	p0 =	sne.s32 s0, $0x0;
	s0 =	rddreg [dreg:$0x2]  }
0x96: {  	s0 =	sadd.s32 @!p0 $0x100000, s0  }
0x97: {  	[sflag:s0] =	ssyncadd.tile.s32 @!p0 $0x1;
	_ =	shalt  }
.Lfunc_end2:
_tile_overlayer_lowered:
.L_overlay_start_2:
0x98: {  	(tag) =	ssettag $0x2  }
0x99: {  	s0 =	rddreg [dreg:$0x0];
	s2 =	stileid.u32  }
0x9a: {  	s1 =	rddreg [dreg:$0x1];
	p0 =	sne.s32 s2, $0x0  }
0x9b: {  	s3 =	rddreg [dreg:$0x2];
	[bflag:$0x3] =	sbarrier.arrive $0xFFFF;
	s2 =	simm.s32 @!p0 $0x1C03  }
0x9c: {  	[timem:s3], [sflag:s2] =	dma.local @!p0 [hbm:s0], s1  }
0x9d: {  	s0 =	simm.s32 @!p0 $0x3  }
0x9e: {  	_ =	swait.ge @!p0 [sflag:s0], s1  }
0x9f: {  	s1 =	ssub.s32 @!p0 $0x0, s1;
	[sflag:s0] =	ssyncset.done @!p0 $0x0  }
0xa0: {  	[sflag:s0] =	ssyncadd.s32 @!p0 s1  }
0xa1: {  	[bflag:$0x3] =	sbarrier.arrive $0xFFFF  }
0xa2: {  	_ =	shalt  }

// kernel: sparse-core-data-format-call.cloned.1.call-start
scs
called_computation_lowered:
.L_overlay_start_0:
0x0: {  	s2 =	sld [smem:$0x3FD9]  }
0x1: {  	s3 =	sld [smem:$0x3FFE];
	_ =	sdelay $0x1  }
0x2: {  	s1 =	srdreg.scid  }
0x3: {  	s0 =	sand.u32 $0x1, s1  }
0x4: {  	s18 =	sshll.u32 s0, $0xA;
	s2 =	sadd.s32 s3, s2  }
0x5: {  	s2 =	sadd.s32 s2, s18  }
0x6: {  	[smem:$0x3FC6] =	sst s2  }
0x7: {  	_ = 	snop  }
0x8: {  	s2 =	sld [smem:$0x3FD0];
	(tm) =	ssettm $0x1  }
0x9: {  	s19 =	sld [smem:$0x3FFB];
	_ =	sdelay $0x3  }
0xa: {  	_ =	strace s19  }
0xb: {  	s3 =	sld [smem:$0x3FFC];
	_ =	sdelay $0x3  }
0xc: {  	_ =	strace s3  }
0xd: {  	s3 =	sld [smem:$0x3FFD];
	_ =	sdelay $0x3  }
0xe: {  	_ =	strace s3  }
0xf: {  	_ =	strace $0x8FFFFFFF  }
0x10: {  	s20 =	sld [smem:$0x3FDB];
	_ =	sdelay $0x1  }
0x11: {  	s4 =	simm.s32 $_scs_section_size  }
0x12: {  	s5 =	simm.s32 $_size__tile_overlayer_lowered;
	s6 =	simm.s32 $_tile_overlayer_lowered  }
0x13: {  	s23 =	simm.s32 $0x1BFF;
	s22 =	sshll.u32 s6, $0x1;
	s3 =	sadd.s32 s4, s20  }
0x14: {  	s7 =	simm.s32 $0x0;
	s21 =	sshll.u32 s5, $0x1;
	s5 =	sadd.s32 s22, s3  }
0x15: {  	[timem:s7], [sflag:s23] =	dma.local [hbm:s5], s21  }
0x16: {  	_ =	swait.ge [sflag:s23], s21  }
0x17: {  	s4 =	ssub.s32 $0x0, s21;
	[sflag:s23] =	ssyncset.done $0x0  }
0x18: {  	[sflag:s23] =	ssyncadd.s32 s4;
	_ =	sdelay $0x1  }
0x19: {  	s24 =	simm.s32 $0x1B8B  }
0x1a: {  	_ =	swait.ge [sflag:s24], $0x1  }
0x1b: {  	[sflag:s24] =	ssyncset.done $0x0  }
0x1c: {  	s26 =	simm.s32 $0x1B8E;
	s25 =	sld [smem:$0x3FFE];
	[sflag:s24] =	ssyncadd.s32 $0xFFFFFFFF  }
0x1d: {  	s27 =	simm.s32 $execute0_lowered;
	[smem:$0x3FD2] =	sst s26  }
0x1e: {  	s5 =	sshll.u32 s27, $0x1;
	_ =	strace $0x80000049;
	[dreg:$0x1] =	wrdreg $0xFFFFFFFF  }
0x1f: {  	s28 =	simm.s32 $_size_execute0_lowered;
	s3 =	sadd.s32 s3, s5;
	[dreg:$0x0] =	wrdreg $0x0  }
0x20: {  	s5 =	sshll.u32 s28, $0x1;
	[dreg:$0x2] =	wrdreg s3  }
0x21: {  	[dreg:$0x3] =	wrdreg s5  }
0x22: {  	[dreg:$0x4] =	wrdreg $0xC0  }
0x23: {  	_ =	task [dreg:s7], $0x5FFFF  }
0x24: {  	[dreg:$0x1] =	wrdreg $0xFFFFFFFF  }
0x25: {  	[dreg:$0x0] =	wrdreg $0x60  }
0x26: {  	[dreg:$0x2] =	wrdreg s25  }
0x27: {  	[dreg:$0x3] =	wrdreg s2  }
0x28: {  	[dreg:$0x4] =	wrdreg $0x9  }
0x29: {  	_ =	task.clear_ibuf [dreg:s7], $0x5FFFF;
	_ =	strace $0x90000049  }
0x2a: {  	s29 =	simm.s32 $0x9;
	_ =	strace $0x8000004B  }
0x2b: {  	_ =	swait.ge [sflag:s29], $0x1  }
0x2c: {  	[sflag:s29] =	ssyncadd.s32 $0xFFFFFFFF  }
0x2d: {  	_ =	strace $0x9000004B  }
0x2e: {  	_ =	sfence  }
0x2f: {  	s30 =	sld [smem:$0x0];
	_ =	sdelay $0x2  }
0x30: {  	s31 =	sshll.u32 s1, $0xD;
	s1 =	sshrl.u32 s1, $0x2  }
0x31: {  	s3 =	sand.u32 $0x4000, s31;
	s1 =	sadd.s32 s1, s30  }
0x32: {  	s0 =	sor.u32 s3, s0;
	s1 =	sshll.u32 s1, $0x11  }
0x33: {  	s0 =	sor.u32 s1, s0  }
0x34: {  	s0 =	sadd.s32 $0x8F2B, s0  }
0x35: {  	[sflag:s0] =	ssyncadd.remote.s32 $0x1  }
0x36: {  	_ =	sfence.sel $0xFFFF  }
0x37: {  	[dreg:$0x0] =	wrdreg $0xFFFFFFFF;
	(pc) =	sbr.abs _section_cstart, $3  }
0x38: {  	[dreg:$0x1] =	wrdreg $0xFFFFFFFF  }
0x39: {  	_ =	task.clear_ibuf [dreg:s7], $0x2FFFF;
	_ =	strace $0x9FFFFFFF  }
0x3a: {  	(tm) =	ssettm $0x7FFFFFFF  }
0x3b: {  	_ =	shalt  }
tec
execute0_lowered:
.L_overlay_start_1:
0x0: {  	(tag) =	ssettag $0x1  }
0x1: {  	s0 =	srdreg.scid  }
0x2: {  	s1 =	sshll.u32 s0, $0x4  }
0x3: {  	s0 =	stileid.u32;
	s1 =	sand.u32 $0x10, s1  }
0x4: {  	s1 =	sor.u32 s0, s1  }
0x5: {  	s6 =	rddreg [dreg:$0x0];
	s4 =	simm.s32 $0x1;
	s2 =	sshll.u32 s1, $0x7  }
0x6: {  	s7 =	simm.s32 $0x2;
	s12 =	simm.s32 $0x0;
	s1 =	ssub.s32 $0x4000, s2  }
0x7: {  	s8 =	simm.s32 $0x20000;
	s13 =	simm.s32 $0x0;
	s3 =	sand.u32 $0xF80, s1  }
0x8: {  	s9 =	simm.s32 $0x0;
	s5 =	sshrl.u32 s1, $0xC;
	p0 =	sne.s32 s3, $0x0  }
.Ltmp0:
0x9: {  	s1 =	rddreg [dreg:$0x2];
	s4 =	simm.s32 @!p0 $0x0;
	(pc) =	sbr.rel .LBB1_1-.Ltmp0, $4  }
0xa: {  	s11 =	simm.s32 $0x0;
	s3 =	rddreg [dreg:$0x1];
	s5 =	sadd.s32 s4, s5  }
0xb: {  	_ =	strace $0x8000004A;
	s4 =	simm.s32 $0x1;
	s5 =	smul.u32 $0x1A, s5  }
0xc: {  	s6 =	sadd.s32 $0x3D8800, s6;
	s10 =	smov.u32 s2;
	[sflag:s4] =	ssyncpa.u1 $0x0  }
0xd: {  	p0 =	por $0x0, $0x0;
	[sflag:s7] =	ssyncpa.u1 $0x0;
	s7 =	sor.u32 $0x1, s5  }
.LBB1_4:
0xe: {  	s16 =	sshll.u32 s13, $0x3;
	s17 =	sand.u32 $0x78, s13  }
0xf: {  	s30 =	sand.u32 $0xF800, s13;
	s12 =	sshll.u32 s12, $0x10;
	s16 =	sand.u32 $0x3C00, s16  }
0x10: {  	s31 =	sand.u32 $0x7, s13;
	s16 =	sor.u32 s17, s16;
	s17 =	sadd.s32 s3, s30  }
0x11: {  	s13 =	sshll.u32 s31, $0x12;
	s16 =	sshrl.u32 s16, $0x3;
	s12 =	sadd.s32 s12, s17  }
0x12: {  	[tilespmem:s15+$0x0 ss:$0x81] =	vst.msk $0xffff, v0;
	s13 =	sor.u32 $0x400, s13;
	s12 =	sadd.s32 s16, s12  }
0x13: {  	[hbm4b:s12+s13] =	stream.strided.scatter [tilespmem:s14], [sflag:$0x2], $0x1000, s8, s13, $0x20;
	[tilespmem:$0x4040] =	vst v63  }
.LBB1_5:
0x14: {  	s14 =	sadd.s32 $0x1, s9  }
0x15: {  	s12 =	sadd.s32 $0x1000, s10;
	s16 =	smov.u32 s10;
	p2 =	sgt.s32 s14, $0x19  }
0x16: {  	s16 =	smov.u32 @p2 s12  }
0x17: {  	s14 =	simm.s32 @p2 $0x0;
	p2 =	sgt.s32 s16, $0x3FFF  }
0x18: {  	s16 =	smov.u32 @p2 s2;
	p2 =	sne.s32 s11, s7  }
.Ltmp1:
0x19: {  	p1 =	slt.u32 s11, $0x2;
	(pc) =	sbr.rel @!p2 .LBB1_6-.Ltmp1, $4  }
0x1a: {  	s15 =	simm.s32 @!p1 $0x2  }
0x1b: {  	s13 =	smov.u32 s10;
	p0 =	por !p0, !p0;
	_ =	swait.ge @!p1 [sflag:s15], $0x1000  }
0x1c: {  	s12 =	smov.u32 s9;
	[sflag:s15] =	ssyncset.done @!p1 $0x0;
	s9 =	smov.u32 s14  }
0x1d: {  	s11 =	sadd.s32 $0x1, s11;
	[sflag:s15] =	ssyncadd.s32 @!p1 $0xFFFFF000;
	s10 =	smov.u32 s16  }
.LBB1_1:
0x1e: {  	p1 =	sge.u32 s11, s5  }
0x1f: {  	s31 =	sadd.s32 $0xFFFFFFFF, s11;
	s14 =	sxor.u32 @!p1 $0xFFFFFFFF, s11  }
0x20: {  	s15 =	sshll.u32 @!p1 s10, $0x9;
	s16 =	sshll.u32 @!p1 s9, $0x4;
	s17 =	simm.s32 @!p1 $0x1000  }
0x21: {  	s14 =	sshll.u32 @!p1 s14, $0xC;
	s16 =	sand.u32 @!p1 $0x1F0, s16;
	s15 =	sadd.s32 @!p1 s6, s15  }
0x22: {  	s14 =	sand.u32 @!p1 $0x1000, s14;
	s15 =	sadd.s32 @!p1 s16, s15;
	s16 =	simm.s32 @!p1 $0x20  }
0x23: {  	[tilespmem:s14], [sflag:$0x1] =	stream.strided.gather @!p1 [hbm4b:s15+s16], $0x1000, s17, s16, $0x38;
	[tilespmem:$0x4040] =	vst v63  }
0x24: {  	p1 =	sge.u32 s31, s5  }
.Ltmp2:
0x25: {  	_ = 	snop;
	(pc) =	sbr.rel @p1 .LBB1_5-.Ltmp2, $1  }
0x26: {  	_ =	sdelay $0x3  }
0x27: {  	s14 =	simm.s32 $0x1  }
0x28: {  	_ =	swait.ge [sflag:s4], $0x1000;
	s14 =	simm.s32 @!p0 $0x0  }
0x29: {  	[sflag:s4] =	ssyncset.done $0x0;
	s15 =	sshll.u32 s14, $0xC  }
0x2a: {  	[sflag:s4] =	ssyncadd.s32 $0xFFFFF000;
	s18 =	sor.u32 $0x10, s15  }
0x2b: {  	s14 =	smul.u32 $0x4080, s14;
	v1 =	vld [tilespmem:s18+$0x0]  }
0x2c: {  	s30 =	sand.u32 $0x1, s11;
	v0 =	vld [tilespmem:s18+$0xFFFFFFF0]  }
0x2d: {  	s15 =	smul.u32 $0x4080, s30;
	s14 =	sshrl.u32 s14, $0x2  }
0x2e: {  	s16 =	sor.u32 $0x2000, s14  }
0x2f: {  	s31 =	sshrl.u32 s15, $0x2;
	s15 =	sadd.s32 $0x0, s16  }
0x30: {  	s17 =	simm.s32 $0x4;
	s18 =	sadd.s32 $0x20, s18;
	s14 =	sor.u32 $0x2000, s31;
	[tilespmem:s15+$0x810 ss:$0x81] =	vst.msk $0xffff, v1  }
.LBB1_3:
0x31: {  	v1 =	vld [tilespmem:s18+$0x0];
	p1 =	sne.s32 s17, $0x1FC;
	[tilespmem:s15+$0x0 ss:$0x81] =	vst.msk $0xffff, v0;
	s15 =	smov.u32 s17;
	s17 =	sadd.s32 $0x4, s17  }
.Ltmp3:
0x32: {  	v0 =	vld [tilespmem:s18+$0xFFFFFFF0];
	(pc) =	sbr.rel @p1 .LBB1_3-.Ltmp3, $4  }
0x33: {  	_ = 	snop  }
0x34: {  	s15 =	sshra.s32 s15, $0x2  }
0x35: {  	s15 =	sadd.s32 s15, s16  }
0x36: {  	s18 =	sadd.s32 $0x20, s18;
	[tilespmem:s15+$0x810 ss:$0x81] =	vst.msk $0xffff, v1  }
.Ltmp4:
0x37: {  	_ = 	snop;
	(pc) =	sbr.rel .LBB1_4-.Ltmp4, $1  }
0x38: {  	_ =	sdelay $0x3  }
.LBB1_6:
0x39: {  	_ =	sfence.sel $0x180000  }
0x3a: {  	s2 =	simm.s32 $0x1;
	[bflag:$0x0] =	sbarrier.arrive $0xFFFF  }
0x3b: {  	s31 =	simm.s32 $0x2;
	[sflag:s2] =	ssyncpa.u1 $0x1  }
0x3c: {  	[sflag:s31] =	ssyncpa.u1 $0x1  }
0x3d: {  	p0 =	sne.s32 s0, $0x0;
	_ =	strace $0x9000004A  }
0x3e: {  	s0 =	sadd.s32 @!p0 $0x100000, s1;
	[bflag:$0x2] =	sbarrier.arrive $0xFFFF  }
0x3f: {  	[sflag:s0] =	ssyncadd.tile.s32 @!p0 $0x1;
	_ =	shalt  }
.Lfunc_end1:
_tile_overlayer_lowered:
.L_overlay_start_2:
0x40: {  	(tag) =	ssettag $0x2  }
0x41: {  	s0 =	rddreg [dreg:$0x0];
	s2 =	stileid.u32  }
0x42: {  	s1 =	rddreg [dreg:$0x1];
	p0 =	sne.s32 s2, $0x0  }
0x43: {  	s3 =	rddreg [dreg:$0x2];
	[bflag:$0x3] =	sbarrier.arrive $0xFFFF;
	s2 =	simm.s32 @!p0 $0x1C01  }
0x44: {  	[timem:s3], [sflag:s2] =	dma.local @!p0 [hbm:s0], s1  }
0x45: {  	s0 =	simm.s32 @!p0 $0x1  }
0x46: {  	_ =	swait.ge @!p0 [sflag:s0], s1  }
0x47: {  	s1 =	ssub.s32 @!p0 $0x0, s1;
	[sflag:s0] =	ssyncset.done @!p0 $0x0  }
0x48: {  	[sflag:s0] =	ssyncadd.s32 @!p0 s1  }
0x49: {  	[bflag:$0x3] =	sbarrier.arrive $0xFFFF  }
0x4a: {  	_ =	shalt  }

</sc_bundles>
